<compile_context>
chip_gen: v7x
topology: tpu7x:2x2x1
jax: 0.10.2.dev20260603
libtpu: 0.0.44.dev20260713+nightly
codegen_flags: <defaults>
</compile_context>

<pallas_src>
import functools

import jax
import jax.numpy as jnp
import numpy as np
from jax import lax
from jax.experimental import pallas as pl
from jax.experimental.pallas import tpu as pltpu
from jax.experimental.pallas import tpu_sc as plsc

_EXPERT_TYPES = (0, 1, 2, 0, 1, 2, 0, 1)
_E = 8
_TOP_K = 2
_TBLK = 256

_INV_SQRT2 = float(1.0 / np.sqrt(2.0))


def _gelu(t):
    return 0.5 * t * (1.0 + lax.erf(t * _INV_SQRT2))


def _softplus(t):
    return jnp.maximum(t, 0.0) + jnp.log(1.0 + jnp.exp(-jnp.abs(t)))


def _bdot(a, b):
    return jnp.dot(a.astype(jnp.bfloat16), b,
                   preferred_element_type=jnp.float32)


def _prep_body(tf_ref, w1tT_ref, rb1_ref, c_ref):
    c_ref[...] = _bdot(tf_ref[...], w1tT_ref[...]) + rb1_ref[...]


def _main_body(x_ref, w1xT_ref, c_ref, w2T_ref, nW1T_ref, nb1_ref, nW2T_ref,
               nb2_ref, rb2_ref, noise_ref, ct_ref, noisy_ref):
    xb = x_ref[...]
    xp = _bdot(xb, w1xT_ref[...])
    cols = []
    for e in range(_E):
        h = _gelu(xp + c_ref[e:e + 1, :])
        le = _bdot(h, w2T_ref[...]) + rb2_ref[...]
        cols.append(jnp.mean(le, axis=1, keepdims=True))
    logits = jnp.concatenate(cols, axis=1)

    nh = _gelu(_bdot(xb, nW1T_ref[...]) + nb1_ref[...])
    nstd = _softplus(_softplus(_bdot(nh, nW2T_ref[...]) + nb2_ref[...]))

    ie = lax.broadcasted_iota(jnp.int32, (1, _E), 1)
    wide = jnp.zeros((1, _E), jnp.bool_)
    for j, ty in enumerate(_EXPERT_TYPES):
        if ty == 1:
            wide = wide | (ie == j)
    wbias = jnp.where(wide, 0.3, 0.0)
    ct = ct_ref[0, 0]
    noisy_ref[...] = logits + ct * (noise_ref[...] * nstd) + wbias


def _route_sc_body(logits_hbm, rout_hbm, idx_hbm, in_v, out_v, idx_v):
    cid = lax.axis_index("c")
    sid = lax.axis_index("s")
    wid = sid * 2 + cid
    tpw = in_v.shape[0] // _E
    base = wid * tpw * _E
    pltpu.sync_copy(logits_hbm.at[pl.ds(base, tpw * _E)], in_v)
    zero16 = jnp.zeros((16,), jnp.float32)
    for j in range(tpw * _E // 16):
        out_v[pl.ds(j * 16, 16)] = zero16
    for g in range(tpw // 16):
        tok = lax.broadcasted_iota(jnp.int32, (16,), 0) + g * 16
        rowbase = tok * _E
        ls = [plsc.load_gather(in_v, [rowbase + e]) for e in range(_E)]
        m1 = ls[0]
        for e in range(1, _E):
            m1 = jnp.maximum(m1, ls[e])
        i1 = jnp.zeros((16,), jnp.int32)
        for e in range(_E - 1, -1, -1):
            i1 = jnp.where(ls[e] == m1, e, i1)
        neginf = jnp.full((16,), -jnp.inf, jnp.float32)
        ms = [jnp.where(i1 == e, neginf, ls[e]) for e in range(_E)]
        m2 = ms[0]
        for e in range(1, _E):
            m2 = jnp.maximum(m2, ms[e])
        i2 = jnp.zeros((16,), jnp.int32)
        for e in range(_E - 1, -1, -1):
            i2 = jnp.where(ms[e] == m2, e, i2)
        r = jnp.exp(m2 - m1)
        denom = 1.0 + r
        p1 = 1.0 / denom
        p2 = r / denom
        plsc.store_scatter(out_v, [rowbase + i1], p1)
        plsc.store_scatter(out_v, [rowbase + i2], p2)
        plsc.store_scatter(idx_v, [tok * _TOP_K], i1)
        plsc.store_scatter(idx_v, [tok * _TOP_K + 1], i2)
    pltpu.sync_copy(out_v, rout_hbm.at[pl.ds(base, tpw * _E)])
    pltpu.sync_copy(idx_v, idx_hbm.at[pl.ds(wid * tpw * _TOP_K, tpw * _TOP_K)])


def kernel(x, type_emb, nW1, nb1, nW2, nb2, rW1, rb1, rW2, rb2, temperature):
    B, S, D = x.shape
    N = B * S
    F = rW1.shape[0]
    H = nW1.shape[0]
    x2 = x.reshape(N, D).astype(jnp.float32)

    et = jnp.asarray(np.array(_EXPERT_TYPES, dtype=np.int32))
    tf = jnp.take(type_emb, et, axis=0)
    bf16 = jnp.bfloat16
    W1xT = rW1[:, :D].T.astype(bf16)
    W1tT = rW1[:, D:].T.astype(bf16)
    w2T = rW2.T.astype(bf16)
    nW1T = nW1.T.astype(bf16)
    nW2T = nW2.T.astype(bf16)

    c = pl.pallas_call(
        _prep_body,
        out_shape=jax.ShapeDtypeStruct((_E, F), jnp.float32),
    )(tf, W1tT, rb1.reshape(1, F))

    noise = jax.random.normal(jax.random.key(42), (B, S, _E),
                              dtype=jnp.float32).reshape(N, _E)
    ct = jnp.clip(temperature * (0.95 ** (S // 100)), 0.05, 3.0)
    ct = ct.reshape(1, 1).astype(jnp.float32)

    nblk = N // _TBLK
    noisy = pl.pallas_call(
        _main_body,
        grid=(nblk,),
        in_specs=[
            pl.BlockSpec((_TBLK, D), lambda i: (i, 0)),
            pl.BlockSpec((D, F), lambda i: (0, 0)),
            pl.BlockSpec((_E, F), lambda i: (0, 0)),
            pl.BlockSpec((F, _E), lambda i: (0, 0)),
            pl.BlockSpec((D, H), lambda i: (0, 0)),
            pl.BlockSpec((1, H), lambda i: (0, 0)),
            pl.BlockSpec((H, _E), lambda i: (0, 0)),
            pl.BlockSpec((1, _E), lambda i: (0, 0)),
            pl.BlockSpec((1, _E), lambda i: (0, 0)),
            pl.BlockSpec((_TBLK, _E), lambda i: (i, 0)),
            pl.BlockSpec(memory_space=pltpu.SMEM),
        ],
        out_specs=pl.BlockSpec((_TBLK, _E), lambda i: (i, 0)),
        out_shape=jax.ShapeDtypeStruct((N, _E), jnp.float32),
    )(x2, W1xT, c, w2T, nW1T, nb1.reshape(1, H), nW2T, nb2.reshape(1, _E),
      rb2.reshape(1, _E), noise, ct)

    nw = 32
    tpw = N // nw
    route = pl.kernel(
        _route_sc_body,
        mesh=plsc.VectorSubcoreMesh(core_axis_name="c", subcore_axis_name="s"),
        compiler_params=pltpu.CompilerParams(needs_layout_passes=False),
        out_type=[
            jax.ShapeDtypeStruct((N * _E,), jnp.float32),
            jax.ShapeDtypeStruct((N * _TOP_K,), jnp.int32),
        ],
        scratch_types=[
            pltpu.VMEM((tpw * _E,), jnp.float32),
            pltpu.VMEM((tpw * _E,), jnp.float32),
            pltpu.VMEM((tpw * _TOP_K,), jnp.int32),
        ],
    )
    rout_flat, idx_flat = route(noisy.reshape(N * _E))

    return (rout_flat.reshape(B, S, _E).astype(x.dtype),
            idx_flat.reshape(B, S, _TOP_K))

# --- scband reference (transcript-rebuilt; emitter-appended) ---
"""Pipeline reference for scband-noisy-topk-router-8074538516585 (READ-ONLY COPY).

The authoritative reference and input builder live on the scoring server;
editing this copy changes nothing except your own understanding.
"""

import jax, jax.numpy as jnp
import numpy as np

N_EMBD = 768
NUM_EXPERTS = 8
TOP_K = 2
EXPERT_TYPES = jnp.array([0, 1, 2, 0, 1, 2, 0, 1], dtype=jnp.int32)


def setup_inputs(seed: int = 0) -> dict:
    key = jax.random.key(seed)
    ks = jax.random.split(key, 12)
    D = N_EMBD
    E = NUM_EXPERTS
    x = jax.random.normal(ks[0], (1, 2048, D), dtype=jnp.float32)
    type_emb = jax.random.normal(ks[1], (3, 2 * D), dtype=jnp.float32)
    # noise_linear: Linear(D, 2E) -> GELU -> Linear(2E, E) -> Softplus
    nW1 = jax.random.uniform(ks[2], (2 * E, D), minval=-1.0, maxval=1.0) / np.sqrt(D)
    nb1 = jnp.zeros((2 * E,), dtype=jnp.float32)
    nW2 = jax.random.uniform(ks[3], (E, 2 * E), minval=-1.0, maxval=1.0) / np.sqrt(2 * E)
    nb2 = jnp.zeros((E,), dtype=jnp.float32)
    # route_net: Linear(3D, 4D) -> GELU -> Linear(4D, E)
    rW1 = jax.random.uniform(ks[4], (4 * D, 3 * D), minval=-1.0, maxval=1.0) / np.sqrt(3 * D)
    rb1 = jnp.zeros((4 * D,), dtype=jnp.float32)
    rW2 = jax.random.normal(ks[5], (E, 4 * D), dtype=jnp.float32) * 0.02  # init.normal_(std=0.02)
    rb2 = jnp.zeros((E,), dtype=jnp.float32)  # init.zeros_
    temperature = jnp.array(1.0, dtype=jnp.float32)
    return {"x": x, "type_emb": type_emb, "nW1": nW1, "nb1": nb1, "nW2": nW2,
            "nb2": nb2, "rW1": rW1, "rb1": rb1, "rW2": rW2, "rb2": rb2,
            "temperature": temperature}


def reference(x, type_emb, nW1, nb1, nW2, nb2, rW1, rb1, rW2, rb2, temperature):
    B, S, D = x.shape
    E = NUM_EXPERTS
    gelu = lambda t: jax.nn.gelu(t, approximate=False)  # torch nn.GELU default (exact)
    # type_features: embedding lookup then broadcast to [B, S, E, 2D]
    tf = jnp.take(type_emb, EXPERT_TYPES, axis=0)  # [E, 2D]
    tf = jnp.broadcast_to(tf[None, None, :, :], (B, S, E, 2 * D))
    expanded_x = jnp.broadcast_to(x[:, :, None, :], (B, S, E, D))
    combined = jnp.concatenate([expanded_x, tf], axis=-1)  # [B, S, E, 3D]
    h = gelu(jnp.einsum('bsed,fd->bsef', combined, rW1) + rb1)  # [B, S, E, 4D]
    logits_full = jnp.einsum('bsef,gf->bseg', h, rW2) + rb2  # [B, S, E, E]
    logits = logits_full.mean(axis=-1)  # [B, S, E]
    # noise std: Softplus is inside noise_linear AND applied again via F.softplus
    nh = gelu(jnp.einsum('bsd,fd->bsf', x, nW1) + nb1)
    nout = jax.nn.softplus(jnp.einsum('bsf,ef->bse', nh, nW2) + nb2)
    noise_std = jax.nn.softplus(nout)  # double softplus, faithful to original
    noise = jax.random.normal(jax.random.key(42), logits.shape, dtype=jnp.float32) * noise_std
    clamped_temp = jnp.clip(temperature * (0.95 ** (S // 100)), 0.05, 3.0)
    noisy_logits = logits + clamped_temp * noise
    wide_bias = (EXPERT_TYPES == 1).astype(jnp.float32) * 0.3  # [E]
    noisy_logits = noisy_logits + wide_bias
    values, indices = jax.lax.top_k(noisy_logits, TOP_K)  # [B, S, K]
    # scatter top-k values into -inf background == keep noisy_logits where selected
    sel = jnp.any(jax.nn.one_hot(indices, E, dtype=jnp.bool_), axis=-2)  # [B, S, E]
    sparse_logits = jnp.where(sel, noisy_logits, -jnp.inf)
    router_output = jax.nn.softmax(sparse_logits, axis=-1)
    return (router_output.astype(x.dtype), indices)

if __name__ == "__main__":
    import jax
    _d = setup_inputs()
    print(jax.jit(kernel)(*tuple(_d.values())))

</pallas_src>

<mosaic_0001>
#map = affine_map<(d0, d1) -> (0)>
module attributes {stable_mosaic.version = 14 : i64} {
  func.func @_route_sc_body(%arg0: i32, %arg1: i32, %arg2: memref<16384xf32, #tpu.memory_space<hbm>>, %arg3: memref<16384xf32, #tpu.memory_space<hbm>>, %arg4: memref<4096xi32, #tpu.memory_space<hbm>>, %arg5: memref<512xf32, #tpu.memory_space<vmem>>, %arg6: memref<512xf32, #tpu.memory_space<vmem>>, %arg7: memref<128xi32, #tpu.memory_space<vmem>>) attributes {dimension_semantics = [#tpu.dimension_semantics<core_parallel>, #tpu.dimension_semantics<subcore_parallel>], iteration_bounds = array<i64: 2, 16>, scalar_prefetch = 0 : i64, scratch_operands = 3 : i64, tpu.core_type = #tpu.core_type<sc_vector_subcore>, window_params = [{transform_indices = #map}, {transform_indices = #map}, {transform_indices = #map}]} {
    %mul3A = arith.constant 2 : i32
    %mul3A_0 = arith.muli %arg1, %mul3A : i32
    %add3A = arith.addi %mul3A_0, %arg0 : i32
    %mul3A_1 = arith.constant 64 : i32
    %mul3A_2 = arith.muli %add3A, %mul3A_1 : i32
    %mul3A_3 = arith.constant 8 : i32
    %mul3A_4 = arith.muli %mul3A_2, %mul3A_3 : i32
    "tpu.region"() ({
      %run_scoped3A = tpu.sem_alloc : memref<!tpu.dma_semaphore, #tpu.memory_space<semaphore_mem>>
      %dma_start3A = tpu.memref_slice %arg2[%mul3A_4] : memref<16384xf32, #tpu.memory_space<hbm>> -> memref<512xf32, #tpu.memory_space<hbm>>
      %dma_start3A_764 = tpu.memref_slice %arg2[%mul3A_4] : memref<16384xf32, #tpu.memory_space<hbm>> -> memref<512xf32, #tpu.memory_space<hbm>>
      tpu.enqueue_dma source(%dma_start3A_764 : memref<512xf32, #tpu.memory_space<hbm>>) target(%arg5 : memref<512xf32, #tpu.memory_space<vmem>>) target_semaphore(%run_scoped3A : memref<!tpu.dma_semaphore, #tpu.memory_space<semaphore_mem>>)
      %dma_wait3A = tpu.memref_slice %arg2[%mul3A_4] : memref<16384xf32, #tpu.memory_space<hbm>> -> memref<512xf32, #tpu.memory_space<hbm>>
      %dma_wait3A_765 = tpu.memref_slice %arg2[%mul3A_4] : memref<16384xf32, #tpu.memory_space<hbm>> -> memref<512xf32, #tpu.memory_space<hbm>>
      tpu.wait_dma2 semaphore(%run_scoped3A : memref<!tpu.dma_semaphore, #tpu.memory_space<semaphore_mem>>) src(%dma_wait3A_765 : memref<512xf32, #tpu.memory_space<hbm>>) dst(%arg5 : memref<512xf32, #tpu.memory_space<vmem>>)
      tpu.yield
    }) : () -> ()
    %broadcast_in_dim3A = arith.constant 0.000000e+00 : f32
    %broadcast_in_dim3A_5 = vector.broadcast %broadcast_in_dim3A : f32 to vector<16xf32>
    %swap3A = arith.constant 0 : index
    %swap3A_6 = tpu.vector_load %arg6[%swap3A] {strides = array<i32>} : memref<512xf32, #tpu.memory_space<vmem>>, vector<16xf32>,
    tpu.vector_store %arg6[%swap3A], %broadcast_in_dim3A_5 {strides = array<i32>} : memref<512xf32, #tpu.memory_space<vmem>>, vector<16xf32>,
    %swap3A_7 = arith.constant 16 : index
    %swap3A_8 = tpu.vector_load %arg6[%swap3A_7] {strides = array<i32>} : memref<512xf32, #tpu.memory_space<vmem>>, vector<16xf32>,
    tpu.vector_store %arg6[%swap3A_7], %broadcast_in_dim3A_5 {strides = array<i32>} : memref<512xf32, #tpu.memory_space<vmem>>, vector<16xf32>,
    %swap3A_9 = arith.constant 32 : index
    %swap3A_10 = tpu.vector_load %arg6[%swap3A_9] {strides = array<i32>} : memref<512xf32, #tpu.memory_space<vmem>>, vector<16xf32>,
    tpu.vector_store %arg6[%swap3A_9], %broadcast_in_dim3A_5 {strides = array<i32>} : memref<512xf32, #tpu.memory_space<vmem>>, vector<16xf32>,
    %swap3A_11 = arith.constant 48 : index
    %swap3A_12 = tpu.vector_load %arg6[%swap3A_11] {strides = array<i32>} : memref<512xf32, #tpu.memory_space<vmem>>, vector<16xf32>,
    tpu.vector_store %arg6[%swap3A_11], %broadcast_in_dim3A_5 {strides = array<i32>} : memref<512xf32, #tpu.memory_space<vmem>>, vector<16xf32>,
    %swap3A_13 = arith.constant 64 : index
    %swap3A_14 = tpu.vector_load %arg6[%swap3A_13] {strides = array<i32>} : memref<512xf32, #tpu.memory_space<vmem>>, vector<16xf32>,
    tpu.vector_store %arg6[%swap3A_13], %broadcast_in_dim3A_5 {strides = array<i32>} : memref<512xf32, #tpu.memory_space<vmem>>, vector<16xf32>,
    %swap3A_15 = arith.constant 80 : index
    %swap3A_16 = tpu.vector_load %arg6[%swap3A_15] {strides = array<i32>} : memref<512xf32, #tpu.memory_space<vmem>>, vector<16xf32>,
    tpu.vector_store %arg6[%swap3A_15], %broadcast_in_dim3A_5 {strides = array<i32>} : memref<512xf32, #tpu.memory_space<vmem>>, vector<16xf32>,
    %swap3A_17 = arith.constant 96 : index
    %swap3A_18 = tpu.vector_load %arg6[%swap3A_17] {strides = array<i32>} : memref<512xf32, #tpu.memory_space<vmem>>, vector<16xf32>,
    tpu.vector_store %arg6[%swap3A_17], %broadcast_in_dim3A_5 {strides = array<i32>} : memref<512xf32, #tpu.memory_space<vmem>>, vector<16xf32>,
    %swap3A_19 = arith.constant 112 : index
    %swap3A_20 = tpu.vector_load %arg6[%swap3A_19] {strides = array<i32>} : memref<512xf32, #tpu.memory_space<vmem>>, vector<16xf32>,
    tpu.vector_store %arg6[%swap3A_19], %broadcast_in_dim3A_5 {strides = array<i32>} : memref<512xf32, #tpu.memory_space<vmem>>, vector<16xf32>,
    %swap3A_21 = arith.constant 128 : index
    %swap3A_22 = tpu.vector_load %arg6[%swap3A_21] {strides = array<i32>} : memref<512xf32, #tpu.memory_space<vmem>>, vector<16xf32>,
    tpu.vector_store %arg6[%swap3A_21], %broadcast_in_dim3A_5 {strides = array<i32>} : memref<512xf32, #tpu.memory_space<vmem>>, vector<16xf32>,
    %swap3A_23 = arith.constant 144 : index
    %swap3A_24 = tpu.vector_load %arg6[%swap3A_23] {strides = array<i32>} : memref<512xf32, #tpu.memory_space<vmem>>, vector<16xf32>,
    tpu.vector_store %arg6[%swap3A_23], %broadcast_in_dim3A_5 {strides = array<i32>} : memref<512xf32, #tpu.memory_space<vmem>>, vector<16xf32>,
    %swap3A_25 = arith.constant 160 : index
    %swap3A_26 = tpu.vector_load %arg6[%swap3A_25] {strides = array<i32>} : memref<512xf32, #tpu.memory_space<vmem>>, vector<16xf32>,
    tpu.vector_store %arg6[%swap3A_25], %broadcast_in_dim3A_5 {strides = array<i32>} : memref<512xf32, #tpu.memory_space<vmem>>, vector<16xf32>,
    %swap3A_27 = arith.constant 176 : index
    %swap3A_28 = tpu.vector_load %arg6[%swap3A_27] {strides = array<i32>} : memref<512xf32, #tpu.memory_space<vmem>>, vector<16xf32>,
    tpu.vector_store %arg6[%swap3A_27], %broadcast_in_dim3A_5 {strides = array<i32>} : memref<512xf32, #tpu.memory_space<vmem>>, vector<16xf32>,
    %swap3A_29 = arith.constant 192 : index
    %swap3A_30 = tpu.vector_load %arg6[%swap3A_29] {strides = array<i32>} : memref<512xf32, #tpu.memory_space<vmem>>, vector<16xf32>,
    tpu.vector_store %arg6[%swap3A_29], %broadcast_in_dim3A_5 {strides = array<i32>} : memref<512xf32, #tpu.memory_space<vmem>>, vector<16xf32>,
    %swap3A_31 = arith.constant 208 : index
    %swap3A_32 = tpu.vector_load %arg6[%swap3A_31] {strides = array<i32>} : memref<512xf32, #tpu.memory_space<vmem>>, vector<16xf32>,
    tpu.vector_store %arg6[%swap3A_31], %broadcast_in_dim3A_5 {strides = array<i32>} : memref<512xf32, #tpu.memory_space<vmem>>, vector<16xf32>,
    %swap3A_33 = arith.constant 224 : index
    %swap3A_34 = tpu.vector_load %arg6[%swap3A_33] {strides = array<i32>} : memref<512xf32, #tpu.memory_space<vmem>>, vector<16xf32>,
    tpu.vector_store %arg6[%swap3A_33], %broadcast_in_dim3A_5 {strides = array<i32>} : memref<512xf32, #tpu.memory_space<vmem>>, vector<16xf32>,
    %swap3A_35 = arith.constant 240 : index
    %swap3A_36 = tpu.vector_load %arg6[%swap3A_35] {strides = array<i32>} : memref<512xf32, #tpu.memory_space<vmem>>, vector<16xf32>,
    tpu.vector_store %arg6[%swap3A_35], %broadcast_in_dim3A_5 {strides = array<i32>} : memref<512xf32, #tpu.memory_space<vmem>>, vector<16xf32>,
    %swap3A_37 = arith.constant 256 : index
    %swap3A_38 = tpu.vector_load %arg6[%swap3A_37] {strides = array<i32>} : memref<512xf32, #tpu.memory_space<vmem>>, vector<16xf32>,
    tpu.vector_store %arg6[%swap3A_37], %broadcast_in_dim3A_5 {strides = array<i32>} : memref<512xf32, #tpu.memory_space<vmem>>, vector<16xf32>,
    %swap3A_39 = arith.constant 272 : index
    %swap3A_40 = tpu.vector_load %arg6[%swap3A_39] {strides = array<i32>} : memref<512xf32, #tpu.memory_space<vmem>>, vector<16xf32>,
    tpu.vector_store %arg6[%swap3A_39], %broadcast_in_dim3A_5 {strides = array<i32>} : memref<512xf32, #tpu.memory_space<vmem>>, vector<16xf32>,
    %swap3A_41 = arith.constant 288 : index
    %swap3A_42 = tpu.vector_load %arg6[%swap3A_41] {strides = array<i32>} : memref<512xf32, #tpu.memory_space<vmem>>, vector<16xf32>,
    tpu.vector_store %arg6[%swap3A_41], %broadcast_in_dim3A_5 {strides = array<i32>} : memref<512xf32, #tpu.memory_space<vmem>>, vector<16xf32>,
    %swap3A_43 = arith.constant 304 : index
    %swap3A_44 = tpu.vector_load %arg6[%swap3A_43] {strides = array<i32>} : memref<512xf32, #tpu.memory_space<vmem>>, vector<16xf32>,
    tpu.vector_store %arg6[%swap3A_43], %broadcast_in_dim3A_5 {strides = array<i32>} : memref<512xf32, #tpu.memory_space<vmem>>, vector<16xf32>,
    %swap3A_45 = arith.constant 320 : index
    %swap3A_46 = tpu.vector_load %arg6[%swap3A_45] {strides = array<i32>} : memref<512xf32, #tpu.memory_space<vmem>>, vector<16xf32>,
    tpu.vector_store %arg6[%swap3A_45], %broadcast_in_dim3A_5 {strides = array<i32>} : memref<512xf32, #tpu.memory_space<vmem>>, vector<16xf32>,
    %swap3A_47 = arith.constant 336 : index
    %swap3A_48 = tpu.vector_load %arg6[%swap3A_47] {strides = array<i32>} : memref<512xf32, #tpu.memory_space<vmem>>, vector<16xf32>,
    tpu.vector_store %arg6[%swap3A_47], %broadcast_in_dim3A_5 {strides = array<i32>} : memref<512xf32, #tpu.memory_space<vmem>>, vector<16xf32>,
    %swap3A_49 = arith.constant 352 : index
    %swap3A_50 = tpu.vector_load %arg6[%swap3A_49] {strides = array<i32>} : memref<512xf32, #tpu.memory_space<vmem>>, vector<16xf32>,
    tpu.vector_store %arg6[%swap3A_49], %broadcast_in_dim3A_5 {strides = array<i32>} : memref<512xf32, #tpu.memory_space<vmem>>, vector<16xf32>,
    %swap3A_51 = arith.constant 368 : index
    %swap3A_52 = tpu.vector_load %arg6[%swap3A_51] {strides = array<i32>} : memref<512xf32, #tpu.memory_space<vmem>>, vector<16xf32>,
    tpu.vector_store %arg6[%swap3A_51], %broadcast_in_dim3A_5 {strides = array<i32>} : memref<512xf32, #tpu.memory_space<vmem>>, vector<16xf32>,
    %swap3A_53 = arith.constant 384 : index
    %swap3A_54 = tpu.vector_load %arg6[%swap3A_53] {strides = array<i32>} : memref<512xf32, #tpu.memory_space<vmem>>, vector<16xf32>,
    tpu.vector_store %arg6[%swap3A_53], %broadcast_in_dim3A_5 {strides = array<i32>} : memref<512xf32, #tpu.memory_space<vmem>>, vector<16xf32>,
    %swap3A_55 = arith.constant 400 : index
    %swap3A_56 = tpu.vector_load %arg6[%swap3A_55] {strides = array<i32>} : memref<512xf32, #tpu.memory_space<vmem>>, vector<16xf32>,
    tpu.vector_store %arg6[%swap3A_55], %broadcast_in_dim3A_5 {strides = array<i32>} : memref<512xf32, #tpu.memory_space<vmem>>, vector<16xf32>,
    %swap3A_57 = arith.constant 416 : index
    %swap3A_58 = tpu.vector_load %arg6[%swap3A_57] {strides = array<i32>} : memref<512xf32, #tpu.memory_space<vmem>>, vector<16xf32>,
    tpu.vector_store %arg6[%swap3A_57], %broadcast_in_dim3A_5 {strides = array<i32>} : memref<512xf32, #tpu.memory_space<vmem>>, vector<16xf32>,
    %swap3A_59 = arith.constant 432 : index
    %swap3A_60 = tpu.vector_load %arg6[%swap3A_59] {strides = array<i32>} : memref<512xf32, #tpu.memory_space<vmem>>, vector<16xf32>,
    tpu.vector_store %arg6[%swap3A_59], %broadcast_in_dim3A_5 {strides = array<i32>} : memref<512xf32, #tpu.memory_space<vmem>>, vector<16xf32>,
    %swap3A_61 = arith.constant 448 : index
    %swap3A_62 = tpu.vector_load %arg6[%swap3A_61] {strides = array<i32>} : memref<512xf32, #tpu.memory_space<vmem>>, vector<16xf32>,
    tpu.vector_store %arg6[%swap3A_61], %broadcast_in_dim3A_5 {strides = array<i32>} : memref<512xf32, #tpu.memory_space<vmem>>, vector<16xf32>,
    %swap3A_63 = arith.constant 464 : index
    %swap3A_64 = tpu.vector_load %arg6[%swap3A_63] {strides = array<i32>} : memref<512xf32, #tpu.memory_space<vmem>>, vector<16xf32>,
    tpu.vector_store %arg6[%swap3A_63], %broadcast_in_dim3A_5 {strides = array<i32>} : memref<512xf32, #tpu.memory_space<vmem>>, vector<16xf32>,
    %swap3A_65 = arith.constant 480 : index
    %swap3A_66 = tpu.vector_load %arg6[%swap3A_65] {strides = array<i32>} : memref<512xf32, #tpu.memory_space<vmem>>, vector<16xf32>,
    tpu.vector_store %arg6[%swap3A_65], %broadcast_in_dim3A_5 {strides = array<i32>} : memref<512xf32, #tpu.memory_space<vmem>>, vector<16xf32>,
    %swap3A_67 = arith.constant 496 : index
    %swap3A_68 = tpu.vector_load %arg6[%swap3A_67] {strides = array<i32>} : memref<512xf32, #tpu.memory_space<vmem>>, vector<16xf32>,
    tpu.vector_store %arg6[%swap3A_67], %broadcast_in_dim3A_5 {strides = array<i32>} : memref<512xf32, #tpu.memory_space<vmem>>, vector<16xf32>,
    %iota3A = tpu.iota {dimensions = array<i32: 0>} : vector<16xi32>
    %add3A_69 = arith.constant 0 : i32
    %add3A_70 = vector.broadcast %add3A_69 : i32 to vector<16xi32>
    %add3A_71 = arith.addi %iota3A, %add3A_70 : vector<16xi32>
    %mul3A_72 = arith.constant 8 : i32
    %mul3A_73 = vector.broadcast %mul3A_72 : i32 to vector<16xi32>
    %mul3A_74 = arith.muli %add3A_71, %mul3A_73 : vector<16xi32>
    %add3A_75 = arith.constant 0 : i32
    %add3A_76 = vector.broadcast %add3A_75 : i32 to vector<16xi32>
    %add3A_77 = arith.addi %mul3A_74, %add3A_76 : vector<16xi32>
    %gather3A = tpu.vector_load_idx %arg5[%add3A_77] : memref<512xf32, #tpu.memory_space<vmem>>[vector<16xi32>], vector<16xf32>,
    %add3A_78 = arith.constant 1 : i32
    %add3A_79 = vector.broadcast %add3A_78 : i32 to vector<16xi32>
    %add3A_80 = arith.addi %mul3A_74, %add3A_79 : vector<16xi32>
    %gather3A_81 = tpu.vector_load_idx %arg5[%add3A_80] : memref<512xf32, #tpu.memory_space<vmem>>[vector<16xi32>], vector<16xf32>,
    %add3A_82 = arith.constant 2 : i32
    %add3A_83 = vector.broadcast %add3A_82 : i32 to vector<16xi32>
    %add3A_84 = arith.addi %mul3A_74, %add3A_83 : vector<16xi32>
    %gather3A_85 = tpu.vector_load_idx %arg5[%add3A_84] : memref<512xf32, #tpu.memory_space<vmem>>[vector<16xi32>], vector<16xf32>,
    %add3A_86 = arith.constant 3 : i32
    %add3A_87 = vector.broadcast %add3A_86 : i32 to vector<16xi32>
    %add3A_88 = arith.addi %mul3A_74, %add3A_87 : vector<16xi32>
    %gather3A_89 = tpu.vector_load_idx %arg5[%add3A_88] : memref<512xf32, #tpu.memory_space<vmem>>[vector<16xi32>], vector<16xf32>,
    %add3A_90 = arith.constant 4 : i32
    %add3A_91 = vector.broadcast %add3A_90 : i32 to vector<16xi32>
    %add3A_92 = arith.addi %mul3A_74, %add3A_91 : vector<16xi32>
    %gather3A_93 = tpu.vector_load_idx %arg5[%add3A_92] : memref<512xf32, #tpu.memory_space<vmem>>[vector<16xi32>], vector<16xf32>,
    %add3A_94 = arith.constant 5 : i32
    %add3A_95 = vector.broadcast %add3A_94 : i32 to vector<16xi32>
    %add3A_96 = arith.addi %mul3A_74, %add3A_95 : vector<16xi32>
    %gather3A_97 = tpu.vector_load_idx %arg5[%add3A_96] : memref<512xf32, #tpu.memory_space<vmem>>[vector<16xi32>], vector<16xf32>,
    %add3A_98 = arith.constant 6 : i32
    %add3A_99 = vector.broadcast %add3A_98 : i32 to vector<16xi32>
    %add3A_100 = arith.addi %mul3A_74, %add3A_99 : vector<16xi32>
    %gather3A_101 = tpu.vector_load_idx %arg5[%add3A_100] : memref<512xf32, #tpu.memory_space<vmem>>[vector<16xi32>], vector<16xf32>,
    %add3A_102 = arith.constant 7 : i32
    %add3A_103 = vector.broadcast %add3A_102 : i32 to vector<16xi32>
    %add3A_104 = arith.addi %mul3A_74, %add3A_103 : vector<16xi32>
    %gather3A_105 = tpu.vector_load_idx %arg5[%add3A_104] : memref<512xf32, #tpu.memory_space<vmem>>[vector<16xi32>], vector<16xf32>,
    %max3A = arith.maximumf %gather3A, %gather3A_81 : vector<16xf32>
    %max3A_106 = arith.maximumf %max3A, %gather3A_85 : vector<16xf32>
    %max3A_107 = arith.maximumf %max3A_106, %gather3A_89 : vector<16xf32>
    %max3A_108 = arith.maximumf %max3A_107, %gather3A_93 : vector<16xf32>
    %max3A_109 = arith.maximumf %max3A_108, %gather3A_97 : vector<16xf32>
    %max3A_110 = arith.maximumf %max3A_109, %gather3A_101 : vector<16xf32>
    %max3A_111 = arith.maximumf %max3A_110, %gather3A_105 : vector<16xf32>
    %broadcast_in_dim3A_112 = arith.constant 0 : i32
    %broadcast_in_dim3A_113 = vector.broadcast %broadcast_in_dim3A_112 : i32 to vector<16xi32>
    %eq3A = arith.cmpf oeq, %gather3A_105, %max3A_111 : vector<16xf32>
    %jit3A = arith.constant 7 : i32
    %broadcast_in_dim3A_114 = vector.broadcast %jit3A : i32 to vector<16xi32>
    %select_n3A = arith.select %eq3A, %broadcast_in_dim3A_114, %broadcast_in_dim3A_113 : vector<16xi1>, vector<16xi32>
    %eq3A_115 = arith.cmpf oeq, %gather3A_101, %max3A_111 : vector<16xf32>
    %jit3A_116 = arith.constant 6 : i32
    %broadcast_in_dim3A_117 = vector.broadcast %jit3A_116 : i32 to vector<16xi32>
    %select_n3A_118 = arith.select %eq3A_115, %broadcast_in_dim3A_117, %select_n3A : vector<16xi1>, vector<16xi32>
    %eq3A_119 = arith.cmpf oeq, %gather3A_97, %max3A_111 : vector<16xf32>
    %jit3A_120 = arith.constant 5 : i32
    %broadcast_in_dim3A_121 = vector.broadcast %jit3A_120 : i32 to vector<16xi32>
    %select_n3A_122 = arith.select %eq3A_119, %broadcast_in_dim3A_121, %select_n3A_118 : vector<16xi1>, vector<16xi32>
    %eq3A_123 = arith.cmpf oeq, %gather3A_93, %max3A_111 : vector<16xf32>
    %jit3A_124 = arith.constant 4 : i32
    %broadcast_in_dim3A_125 = vector.broadcast %jit3A_124 : i32 to vector<16xi32>
    %select_n3A_126 = arith.select %eq3A_123, %broadcast_in_dim3A_125, %select_n3A_122 : vector<16xi1>, vector<16xi32>
    %eq3A_127 = arith.cmpf oeq, %gather3A_89, %max3A_111 : vector<16xf32>
    %jit3A_128 = arith.constant 3 : i32
    %broadcast_in_dim3A_129 = vector.broadcast %jit3A_128 : i32 to vector<16xi32>
    %select_n3A_130 = arith.select %eq3A_127, %broadcast_in_dim3A_129, %select_n3A_126 : vector<16xi1>, vector<16xi32>
    %eq3A_131 = arith.cmpf oeq, %gather3A_85, %max3A_111 : vector<16xf32>
    %jit3A_132 = arith.constant 2 : i32
    %broadcast_in_dim3A_133 = vector.broadcast %jit3A_132 : i32 to vector<16xi32>
    %select_n3A_134 = arith.select %eq3A_131, %broadcast_in_dim3A_133, %select_n3A_130 : vector<16xi1>, vector<16xi32>
    %eq3A_135 = arith.cmpf oeq, %gather3A_81, %max3A_111 : vector<16xf32>
    %jit3A_136 = arith.constant 1 : i32
    %broadcast_in_dim3A_137 = vector.broadcast %jit3A_136 : i32 to vector<16xi32>
    %select_n3A_138 = arith.select %eq3A_135, %broadcast_in_dim3A_137, %select_n3A_134 : vector<16xi1>, vector<16xi32>
    %eq3A_139 = arith.cmpf oeq, %gather3A, %max3A_111 : vector<16xf32>
    %jit3A_140 = arith.constant 0 : i32
    %broadcast_in_dim3A_141 = vector.broadcast %jit3A_140 : i32 to vector<16xi32>
    %select_n3A_142 = arith.select %eq3A_139, %broadcast_in_dim3A_141, %select_n3A_138 : vector<16xi1>, vector<16xi32>
    %broadcast_in_dim3A_143 = arith.constant 0xFF800000 : f32
    %broadcast_in_dim3A_144 = vector.broadcast %broadcast_in_dim3A_143 : f32 to vector<16xf32>
    %eq3A_145 = arith.constant 0 : i32
    %eq3A_146 = vector.broadcast %eq3A_145 : i32 to vector<16xi32>
    %eq3A_147 = arith.cmpi eq, %select_n3A_142, %eq3A_146 : vector<16xi32>
    %select_n3A_148 = arith.select %eq3A_147, %broadcast_in_dim3A_144, %gather3A : vector<16xi1>, vector<16xf32>
    %eq3A_149 = arith.constant 1 : i32
    %eq3A_150 = vector.broadcast %eq3A_149 : i32 to vector<16xi32>
    %eq3A_151 = arith.cmpi eq, %select_n3A_142, %eq3A_150 : vector<16xi32>
    %select_n3A_152 = arith.select %eq3A_151, %broadcast_in_dim3A_144, %gather3A_81 : vector<16xi1>, vector<16xf32>
    %eq3A_153 = arith.constant 2 : i32
    %eq3A_154 = vector.broadcast %eq3A_153 : i32 to vector<16xi32>
    %eq3A_155 = arith.cmpi eq, %select_n3A_142, %eq3A_154 : vector<16xi32>
    %select_n3A_156 = arith.select %eq3A_155, %broadcast_in_dim3A_144, %gather3A_85 : vector<16xi1>, vector<16xf32>
    %eq3A_157 = arith.constant 3 : i32
    %eq3A_158 = vector.broadcast %eq3A_157 : i32 to vector<16xi32>
    %eq3A_159 = arith.cmpi eq, %select_n3A_142, %eq3A_158 : vector<16xi32>
    %select_n3A_160 = arith.select %eq3A_159, %broadcast_in_dim3A_144, %gather3A_89 : vector<16xi1>, vector<16xf32>
    %eq3A_161 = arith.constant 4 : i32
    %eq3A_162 = vector.broadcast %eq3A_161 : i32 to vector<16xi32>
    %eq3A_163 = arith.cmpi eq, %select_n3A_142, %eq3A_162 : vector<16xi32>
    %select_n3A_164 = arith.select %eq3A_163, %broadcast_in_dim3A_144, %gather3A_93 : vector<16xi1>, vector<16xf32>
    %eq3A_165 = arith.constant 5 : i32
    %eq3A_166 = vector.broadcast %eq3A_165 : i32 to vector<16xi32>
    %eq3A_167 = arith.cmpi eq, %select_n3A_142, %eq3A_166 : vector<16xi32>
    %select_n3A_168 = arith.select %eq3A_167, %broadcast_in_dim3A_144, %gather3A_97 : vector<16xi1>, vector<16xf32>
    %eq3A_169 = arith.constant 6 : i32
    %eq3A_170 = vector.broadcast %eq3A_169 : i32 to vector<16xi32>
    %eq3A_171 = arith.cmpi eq, %select_n3A_142, %eq3A_170 : vector<16xi32>
    %select_n3A_172 = arith.select %eq3A_171, %broadcast_in_dim3A_144, %gather3A_101 : vector<16xi1>, vector<16xf32>
    %eq3A_173 = arith.constant 7 : i32
    %eq3A_174 = vector.broadcast %eq3A_173 : i32 to vector<16xi32>
    %eq3A_175 = arith.cmpi eq, %select_n3A_142, %eq3A_174 : vector<16xi32>
    %select_n3A_176 = arith.select %eq3A_175, %broadcast_in_dim3A_144, %gather3A_105 : vector<16xi1>, vector<16xf32>
    %max3A_177 = arith.maximumf %select_n3A_148, %select_n3A_152 : vector<16xf32>
    %max3A_178 = arith.maximumf %max3A_177, %select_n3A_156 : vector<16xf32>
    %max3A_179 = arith.maximumf %max3A_178, %select_n3A_160 : vector<16xf32>
    %max3A_180 = arith.maximumf %max3A_179, %select_n3A_164 : vector<16xf32>
    %max3A_181 = arith.maximumf %max3A_180, %select_n3A_168 : vector<16xf32>
    %max3A_182 = arith.maximumf %max3A_181, %select_n3A_172 : vector<16xf32>
    %max3A_183 = arith.maximumf %max3A_182, %select_n3A_176 : vector<16xf32>
    %broadcast_in_dim3A_184 = arith.constant 0 : i32
    %broadcast_in_dim3A_185 = vector.broadcast %broadcast_in_dim3A_184 : i32 to vector<16xi32>
    %eq3A_186 = arith.cmpf oeq, %select_n3A_176, %max3A_183 : vector<16xf32>
    %jit3A_187 = arith.constant 7 : i32
    %broadcast_in_dim3A_188 = vector.broadcast %jit3A_187 : i32 to vector<16xi32>
    %select_n3A_189 = arith.select %eq3A_186, %broadcast_in_dim3A_188, %broadcast_in_dim3A_185 : vector<16xi1>, vector<16xi32>
    %eq3A_190 = arith.cmpf oeq, %select_n3A_172, %max3A_183 : vector<16xf32>
    %jit3A_191 = arith.constant 6 : i32
    %broadcast_in_dim3A_192 = vector.broadcast %jit3A_191 : i32 to vector<16xi32>
    %select_n3A_193 = arith.select %eq3A_190, %broadcast_in_dim3A_192, %select_n3A_189 : vector<16xi1>, vector<16xi32>
    %eq3A_194 = arith.cmpf oeq, %select_n3A_168, %max3A_183 : vector<16xf32>
    %jit3A_195 = arith.constant 5 : i32
    %broadcast_in_dim3A_196 = vector.broadcast %jit3A_195 : i32 to vector<16xi32>
    %select_n3A_197 = arith.select %eq3A_194, %broadcast_in_dim3A_196, %select_n3A_193 : vector<16xi1>, vector<16xi32>
    %eq3A_198 = arith.cmpf oeq, %select_n3A_164, %max3A_183 : vector<16xf32>
    %jit3A_199 = arith.constant 4 : i32
    %broadcast_in_dim3A_200 = vector.broadcast %jit3A_199 : i32 to vector<16xi32>
    %select_n3A_201 = arith.select %eq3A_198, %broadcast_in_dim3A_200, %select_n3A_197 : vector<16xi1>, vector<16xi32>
    %eq3A_202 = arith.cmpf oeq, %select_n3A_160, %max3A_183 : vector<16xf32>
    %jit3A_203 = arith.constant 3 : i32
    %broadcast_in_dim3A_204 = vector.broadcast %jit3A_203 : i32 to vector<16xi32>
    %select_n3A_205 = arith.select %eq3A_202, %broadcast_in_dim3A_204, %select_n3A_201 : vector<16xi1>, vector<16xi32>
    %eq3A_206 = arith.cmpf oeq, %select_n3A_156, %max3A_183 : vector<16xf32>
    %jit3A_207 = arith.constant 2 : i32
    %broadcast_in_dim3A_208 = vector.broadcast %jit3A_207 : i32 to vector<16xi32>
    %select_n3A_209 = arith.select %eq3A_206, %broadcast_in_dim3A_208, %select_n3A_205 : vector<16xi1>, vector<16xi32>
    %eq3A_210 = arith.cmpf oeq, %select_n3A_152, %max3A_183 : vector<16xf32>
    %jit3A_211 = arith.constant 1 : i32
    %broadcast_in_dim3A_212 = vector.broadcast %jit3A_211 : i32 to vector<16xi32>
    %select_n3A_213 = arith.select %eq3A_210, %broadcast_in_dim3A_212, %select_n3A_209 : vector<16xi1>, vector<16xi32>
    %eq3A_214 = arith.cmpf oeq, %select_n3A_148, %max3A_183 : vector<16xf32>
    %jit3A_215 = arith.constant 0 : i32
    %broadcast_in_dim3A_216 = vector.broadcast %jit3A_215 : i32 to vector<16xi32>
    %select_n3A_217 = arith.select %eq3A_214, %broadcast_in_dim3A_216, %select_n3A_213 : vector<16xi1>, vector<16xi32>
    %sub3A = arith.subf %max3A_183, %max3A_111 : vector<16xf32>
    %exp3A = math.exp %sub3A : vector<16xf32>
    %add3A_218 = arith.constant 1.000000e+00 : f32
    %add3A_219 = vector.broadcast %add3A_218 : f32 to vector<16xf32>
    %add3A_220 = arith.addf %add3A_219, %exp3A : vector<16xf32>
    %div3A = arith.constant 1.000000e+00 : f32
    %div3A_221 = vector.broadcast %div3A : f32 to vector<16xf32>
    %div3A_222 = arith.divf %div3A_221, %add3A_220 : vector<16xf32>
    %div3A_223 = arith.divf %exp3A, %add3A_220 : vector<16xf32>
    %add3A_224 = arith.addi %mul3A_74, %select_n3A_142 : vector<16xi32>
    tpu.vector_store_idx %arg6[%add3A_224], %div3A_222 : memref<512xf32, #tpu.memory_space<vmem>>[vector<16xi32>], vector<16xf32>,
    %add3A_225 = arith.addi %mul3A_74, %select_n3A_217 : vector<16xi32>
    tpu.vector_store_idx %arg6[%add3A_225], %div3A_223 : memref<512xf32, #tpu.memory_space<vmem>>[vector<16xi32>], vector<16xf32>,
    %mul3A_226 = arith.constant 2 : i32
    %mul3A_227 = vector.broadcast %mul3A_226 : i32 to vector<16xi32>
    %mul3A_228 = arith.muli %add3A_71, %mul3A_227 : vector<16xi32>
    tpu.vector_store_idx %arg7[%mul3A_228], %select_n3A_142 : memref<128xi32, #tpu.memory_space<vmem>>[vector<16xi32>], vector<16xi32>,
    %mul3A_229 = arith.constant 2 : i32
    %mul3A_230 = vector.broadcast %mul3A_229 : i32 to vector<16xi32>
    %mul3A_231 = arith.muli %add3A_71, %mul3A_230 : vector<16xi32>
    %add3A_232 = arith.constant 1 : i32
    %add3A_233 = vector.broadcast %add3A_232 : i32 to vector<16xi32>
    %add3A_234 = arith.addi %mul3A_231, %add3A_233 : vector<16xi32>
    tpu.vector_store_idx %arg7[%add3A_234], %select_n3A_217 : memref<128xi32, #tpu.memory_space<vmem>>[vector<16xi32>], vector<16xi32>,
    %iota3A_235 = tpu.iota {dimensions = array<i32: 0>} : vector<16xi32>
    %add3A_236 = arith.constant 16 : i32
    %add3A_237 = vector.broadcast %add3A_236 : i32 to vector<16xi32>
    %add3A_238 = arith.addi %iota3A_235, %add3A_237 : vector<16xi32>
    %mul3A_239 = arith.constant 8 : i32
    %mul3A_240 = vector.broadcast %mul3A_239 : i32 to vector<16xi32>
    %mul3A_241 = arith.muli %add3A_238, %mul3A_240 : vector<16xi32>
    %add3A_242 = arith.constant 0 : i32
    %add3A_243 = vector.broadcast %add3A_242 : i32 to vector<16xi32>
    %add3A_244 = arith.addi %mul3A_241, %add3A_243 : vector<16xi32>
    %gather3A_245 = tpu.vector_load_idx %arg5[%add3A_244] : memref<512xf32, #tpu.memory_space<vmem>>[vector<16xi32>], vector<16xf32>,
    %add3A_246 = arith.constant 1 : i32
    %add3A_247 = vector.broadcast %add3A_246 : i32 to vector<16xi32>
    %add3A_248 = arith.addi %mul3A_241, %add3A_247 : vector<16xi32>
    %gather3A_249 = tpu.vector_load_idx %arg5[%add3A_248] : memref<512xf32, #tpu.memory_space<vmem>>[vector<16xi32>], vector<16xf32>,
    %add3A_250 = arith.constant 2 : i32
    %add3A_251 = vector.broadcast %add3A_250 : i32 to vector<16xi32>
    %add3A_252 = arith.addi %mul3A_241, %add3A_251 : vector<16xi32>
    %gather3A_253 = tpu.vector_load_idx %arg5[%add3A_252] : memref<512xf32, #tpu.memory_space<vmem>>[vector<16xi32>], vector<16xf32>,
    %add3A_254 = arith.constant 3 : i32
    %add3A_255 = vector.broadcast %add3A_254 : i32 to vector<16xi32>
    %add3A_256 = arith.addi %mul3A_241, %add3A_255 : vector<16xi32>
    %gather3A_257 = tpu.vector_load_idx %arg5[%add3A_256] : memref<512xf32, #tpu.memory_space<vmem>>[vector<16xi32>], vector<16xf32>,
    %add3A_258 = arith.constant 4 : i32
    %add3A_259 = vector.broadcast %add3A_258 : i32 to vector<16xi32>
    %add3A_260 = arith.addi %mul3A_241, %add3A_259 : vector<16xi32>
    %gather3A_261 = tpu.vector_load_idx %arg5[%add3A_260] : memref<512xf32, #tpu.memory_space<vmem>>[vector<16xi32>], vector<16xf32>,
    %add3A_262 = arith.constant 5 : i32
    %add3A_263 = vector.broadcast %add3A_262 : i32 to vector<16xi32>
    %add3A_264 = arith.addi %mul3A_241, %add3A_263 : vector<16xi32>
    %gather3A_265 = tpu.vector_load_idx %arg5[%add3A_264] : memref<512xf32, #tpu.memory_space<vmem>>[vector<16xi32>], vector<16xf32>,
    %add3A_266 = arith.constant 6 : i32
    %add3A_267 = vector.broadcast %add3A_266 : i32 to vector<16xi32>
    %add3A_268 = arith.addi %mul3A_241, %add3A_267 : vector<16xi32>
    %gather3A_269 = tpu.vector_load_idx %arg5[%add3A_268] : memref<512xf32, #tpu.memory_space<vmem>>[vector<16xi32>], vector<16xf32>,
    %add3A_270 = arith.constant 7 : i32
    %add3A_271 = vector.broadcast %add3A_270 : i32 to vector<16xi32>
    %add3A_272 = arith.addi %mul3A_241, %add3A_271 : vector<16xi32>
    %gather3A_273 = tpu.vector_load_idx %arg5[%add3A_272] : memref<512xf32, #tpu.memory_space<vmem>>[vector<16xi32>], vector<16xf32>,
    %max3A_274 = arith.maximumf %gather3A_245, %gather3A_249 : vector<16xf32>
    %max3A_275 = arith.maximumf %max3A_274, %gather3A_253 : vector<16xf32>
    %max3A_276 = arith.maximumf %max3A_275, %gather3A_257 : vector<16xf32>
    %max3A_277 = arith.maximumf %max3A_276, %gather3A_261 : vector<16xf32>
    %max3A_278 = arith.maximumf %max3A_277, %gather3A_265 : vector<16xf32>
    %max3A_279 = arith.maximumf %max3A_278, %gather3A_269 : vector<16xf32>
    %max3A_280 = arith.maximumf %max3A_279, %gather3A_273 : vector<16xf32>
    %broadcast_in_dim3A_281 = arith.constant 0 : i32
    %broadcast_in_dim3A_282 = vector.broadcast %broadcast_in_dim3A_281 : i32 to vector<16xi32>
    %eq3A_283 = arith.cmpf oeq, %gather3A_273, %max3A_280 : vector<16xf32>
    %jit3A_284 = arith.constant 7 : i32
    %broadcast_in_dim3A_285 = vector.broadcast %jit3A_284 : i32 to vector<16xi32>
    %select_n3A_286 = arith.select %eq3A_283, %broadcast_in_dim3A_285, %broadcast_in_dim3A_282 : vector<16xi1>, vector<16xi32>
    %eq3A_287 = arith.cmpf oeq, %gather3A_269, %max3A_280 : vector<16xf32>
    %jit3A_288 = arith.constant 6 : i32
    %broadcast_in_dim3A_289 = vector.broadcast %jit3A_288 : i32 to vector<16xi32>
    %select_n3A_290 = arith.select %eq3A_287, %broadcast_in_dim3A_289, %select_n3A_286 : vector<16xi1>, vector<16xi32>
    %eq3A_291 = arith.cmpf oeq, %gather3A_265, %max3A_280 : vector<16xf32>
    %jit3A_292 = arith.constant 5 : i32
    %broadcast_in_dim3A_293 = vector.broadcast %jit3A_292 : i32 to vector<16xi32>
    %select_n3A_294 = arith.select %eq3A_291, %broadcast_in_dim3A_293, %select_n3A_290 : vector<16xi1>, vector<16xi32>
    %eq3A_295 = arith.cmpf oeq, %gather3A_261, %max3A_280 : vector<16xf32>
    %jit3A_296 = arith.constant 4 : i32
    %broadcast_in_dim3A_297 = vector.broadcast %jit3A_296 : i32 to vector<16xi32>
    %select_n3A_298 = arith.select %eq3A_295, %broadcast_in_dim3A_297, %select_n3A_294 : vector<16xi1>, vector<16xi32>
    %eq3A_299 = arith.cmpf oeq, %gather3A_257, %max3A_280 : vector<16xf32>
    %jit3A_300 = arith.constant 3 : i32
    %broadcast_in_dim3A_301 = vector.broadcast %jit3A_300 : i32 to vector<16xi32>
    %select_n3A_302 = arith.select %eq3A_299, %broadcast_in_dim3A_301, %select_n3A_298 : vector<16xi1>, vector<16xi32>
    %eq3A_303 = arith.cmpf oeq, %gather3A_253, %max3A_280 : vector<16xf32>
    %jit3A_304 = arith.constant 2 : i32
    %broadcast_in_dim3A_305 = vector.broadcast %jit3A_304 : i32 to vector<16xi32>
    %select_n3A_306 = arith.select %eq3A_303, %broadcast_in_dim3A_305, %select_n3A_302 : vector<16xi1>, vector<16xi32>
    %eq3A_307 = arith.cmpf oeq, %gather3A_249, %max3A_280 : vector<16xf32>
    %jit3A_308 = arith.constant 1 : i32
    %broadcast_in_dim3A_309 = vector.broadcast %jit3A_308 : i32 to vector<16xi32>
    %select_n3A_310 = arith.select %eq3A_307, %broadcast_in_dim3A_309, %select_n3A_306 : vector<16xi1>, vector<16xi32>
    %eq3A_311 = arith.cmpf oeq, %gather3A_245, %max3A_280 : vector<16xf32>
    %jit3A_312 = arith.constant 0 : i32
    %broadcast_in_dim3A_313 = vector.broadcast %jit3A_312 : i32 to vector<16xi32>
    %select_n3A_314 = arith.select %eq3A_311, %broadcast_in_dim3A_313, %select_n3A_310 : vector<16xi1>, vector<16xi32>
    %broadcast_in_dim3A_315 = arith.constant 0xFF800000 : f32
    %broadcast_in_dim3A_316 = vector.broadcast %broadcast_in_dim3A_315 : f32 to vector<16xf32>
    %eq3A_317 = arith.constant 0 : i32
    %eq3A_318 = vector.broadcast %eq3A_317 : i32 to vector<16xi32>
    %eq3A_319 = arith.cmpi eq, %select_n3A_314, %eq3A_318 : vector<16xi32>
    %select_n3A_320 = arith.select %eq3A_319, %broadcast_in_dim3A_316, %gather3A_245 : vector<16xi1>, vector<16xf32>
    %eq3A_321 = arith.constant 1 : i32
    %eq3A_322 = vector.broadcast %eq3A_321 : i32 to vector<16xi32>
    %eq3A_323 = arith.cmpi eq, %select_n3A_314, %eq3A_322 : vector<16xi32>
    %select_n3A_324 = arith.select %eq3A_323, %broadcast_in_dim3A_316, %gather3A_249 : vector<16xi1>, vector<16xf32>
    %eq3A_325 = arith.constant 2 : i32
    %eq3A_326 = vector.broadcast %eq3A_325 : i32 to vector<16xi32>
    %eq3A_327 = arith.cmpi eq, %select_n3A_314, %eq3A_326 : vector<16xi32>
    %select_n3A_328 = arith.select %eq3A_327, %broadcast_in_dim3A_316, %gather3A_253 : vector<16xi1>, vector<16xf32>
    %eq3A_329 = arith.constant 3 : i32
    %eq3A_330 = vector.broadcast %eq3A_329 : i32 to vector<16xi32>
    %eq3A_331 = arith.cmpi eq, %select_n3A_314, %eq3A_330 : vector<16xi32>
    %select_n3A_332 = arith.select %eq3A_331, %broadcast_in_dim3A_316, %gather3A_257 : vector<16xi1>, vector<16xf32>
    %eq3A_333 = arith.constant 4 : i32
    %eq3A_334 = vector.broadcast %eq3A_333 : i32 to vector<16xi32>
    %eq3A_335 = arith.cmpi eq, %select_n3A_314, %eq3A_334 : vector<16xi32>
    %select_n3A_336 = arith.select %eq3A_335, %broadcast_in_dim3A_316, %gather3A_261 : vector<16xi1>, vector<16xf32>
    %eq3A_337 = arith.constant 5 : i32
    %eq3A_338 = vector.broadcast %eq3A_337 : i32 to vector<16xi32>
    %eq3A_339 = arith.cmpi eq, %select_n3A_314, %eq3A_338 : vector<16xi32>
    %select_n3A_340 = arith.select %eq3A_339, %broadcast_in_dim3A_316, %gather3A_265 : vector<16xi1>, vector<16xf32>
    %eq3A_341 = arith.constant 6 : i32
    %eq3A_342 = vector.broadcast %eq3A_341 : i32 to vector<16xi32>
    %eq3A_343 = arith.cmpi eq, %select_n3A_314, %eq3A_342 : vector<16xi32>
    %select_n3A_344 = arith.select %eq3A_343, %broadcast_in_dim3A_316, %gather3A_269 : vector<16xi1>, vector<16xf32>
    %eq3A_345 = arith.constant 7 : i32
    %eq3A_346 = vector.broadcast %eq3A_345 : i32 to vector<16xi32>
    %eq3A_347 = arith.cmpi eq, %select_n3A_314, %eq3A_346 : vector<16xi32>
    %select_n3A_348 = arith.select %eq3A_347, %broadcast_in_dim3A_316, %gather3A_273 : vector<16xi1>, vector<16xf32>
    %max3A_349 = arith.maximumf %select_n3A_320, %select_n3A_324 : vector<16xf32>
    %max3A_350 = arith.maximumf %max3A_349, %select_n3A_328 : vector<16xf32>
    %max3A_351 = arith.maximumf %max3A_350, %select_n3A_332 : vector<16xf32>
    %max3A_352 = arith.maximumf %max3A_351, %select_n3A_336 : vector<16xf32>
    %max3A_353 = arith.maximumf %max3A_352, %select_n3A_340 : vector<16xf32>
    %max3A_354 = arith.maximumf %max3A_353, %select_n3A_344 : vector<16xf32>
    %max3A_355 = arith.maximumf %max3A_354, %select_n3A_348 : vector<16xf32>
    %broadcast_in_dim3A_356 = arith.constant 0 : i32
    %broadcast_in_dim3A_357 = vector.broadcast %broadcast_in_dim3A_356 : i32 to vector<16xi32>
    %eq3A_358 = arith.cmpf oeq, %select_n3A_348, %max3A_355 : vector<16xf32>
    %jit3A_359 = arith.constant 7 : i32
    %broadcast_in_dim3A_360 = vector.broadcast %jit3A_359 : i32 to vector<16xi32>
    %select_n3A_361 = arith.select %eq3A_358, %broadcast_in_dim3A_360, %broadcast_in_dim3A_357 : vector<16xi1>, vector<16xi32>
    %eq3A_362 = arith.cmpf oeq, %select_n3A_344, %max3A_355 : vector<16xf32>
    %jit3A_363 = arith.constant 6 : i32
    %broadcast_in_dim3A_364 = vector.broadcast %jit3A_363 : i32 to vector<16xi32>
    %select_n3A_365 = arith.select %eq3A_362, %broadcast_in_dim3A_364, %select_n3A_361 : vector<16xi1>, vector<16xi32>
    %eq3A_366 = arith.cmpf oeq, %select_n3A_340, %max3A_355 : vector<16xf32>
    %jit3A_367 = arith.constant 5 : i32
    %broadcast_in_dim3A_368 = vector.broadcast %jit3A_367 : i32 to vector<16xi32>
    %select_n3A_369 = arith.select %eq3A_366, %broadcast_in_dim3A_368, %select_n3A_365 : vector<16xi1>, vector<16xi32>
    %eq3A_370 = arith.cmpf oeq, %select_n3A_336, %max3A_355 : vector<16xf32>
    %jit3A_371 = arith.constant 4 : i32
    %broadcast_in_dim3A_372 = vector.broadcast %jit3A_371 : i32 to vector<16xi32>
    %select_n3A_373 = arith.select %eq3A_370, %broadcast_in_dim3A_372, %select_n3A_369 : vector<16xi1>, vector<16xi32>
    %eq3A_374 = arith.cmpf oeq, %select_n3A_332, %max3A_355 : vector<16xf32>
    %jit3A_375 = arith.constant 3 : i32
    %broadcast_in_dim3A_376 = vector.broadcast %jit3A_375 : i32 to vector<16xi32>
    %select_n3A_377 = arith.select %eq3A_374, %broadcast_in_dim3A_376, %select_n3A_373 : vector<16xi1>, vector<16xi32>
    %eq3A_378 = arith.cmpf oeq, %select_n3A_328, %max3A_355 : vector<16xf32>
    %jit3A_379 = arith.constant 2 : i32
    %broadcast_in_dim3A_380 = vector.broadcast %jit3A_379 : i32 to vector<16xi32>
    %select_n3A_381 = arith.select %eq3A_378, %broadcast_in_dim3A_380, %select_n3A_377 : vector<16xi1>, vector<16xi32>
    %eq3A_382 = arith.cmpf oeq, %select_n3A_324, %max3A_355 : vector<16xf32>
    %jit3A_383 = arith.constant 1 : i32
    %broadcast_in_dim3A_384 = vector.broadcast %jit3A_383 : i32 to vector<16xi32>
    %select_n3A_385 = arith.select %eq3A_382, %broadcast_in_dim3A_384, %select_n3A_381 : vector<16xi1>, vector<16xi32>
    %eq3A_386 = arith.cmpf oeq, %select_n3A_320, %max3A_355 : vector<16xf32>
    %jit3A_387 = arith.constant 0 : i32
    %broadcast_in_dim3A_388 = vector.broadcast %jit3A_387 : i32 to vector<16xi32>
    %select_n3A_389 = arith.select %eq3A_386, %broadcast_in_dim3A_388, %select_n3A_385 : vector<16xi1>, vector<16xi32>
    %sub3A_390 = arith.subf %max3A_355, %max3A_280 : vector<16xf32>
    %exp3A_391 = math.exp %sub3A_390 : vector<16xf32>
    %add3A_392 = arith.constant 1.000000e+00 : f32
    %add3A_393 = vector.broadcast %add3A_392 : f32 to vector<16xf32>
    %add3A_394 = arith.addf %add3A_393, %exp3A_391 : vector<16xf32>
    %div3A_395 = arith.constant 1.000000e+00 : f32
    %div3A_396 = vector.broadcast %div3A_395 : f32 to vector<16xf32>
    %div3A_397 = arith.divf %div3A_396, %add3A_394 : vector<16xf32>
    %div3A_398 = arith.divf %exp3A_391, %add3A_394 : vector<16xf32>
    %add3A_399 = arith.addi %mul3A_241, %select_n3A_314 : vector<16xi32>
    tpu.vector_store_idx %arg6[%add3A_399], %div3A_397 : memref<512xf32, #tpu.memory_space<vmem>>[vector<16xi32>], vector<16xf32>,
    %add3A_400 = arith.addi %mul3A_241, %select_n3A_389 : vector<16xi32>
    tpu.vector_store_idx %arg6[%add3A_400], %div3A_398 : memref<512xf32, #tpu.memory_space<vmem>>[vector<16xi32>], vector<16xf32>,
    %mul3A_401 = arith.constant 2 : i32
    %mul3A_402 = vector.broadcast %mul3A_401 : i32 to vector<16xi32>
    %mul3A_403 = arith.muli %add3A_238, %mul3A_402 : vector<16xi32>
    tpu.vector_store_idx %arg7[%mul3A_403], %select_n3A_314 : memref<128xi32, #tpu.memory_space<vmem>>[vector<16xi32>], vector<16xi32>,
    %mul3A_404 = arith.constant 2 : i32
    %mul3A_405 = vector.broadcast %mul3A_404 : i32 to vector<16xi32>
    %mul3A_406 = arith.muli %add3A_238, %mul3A_405 : vector<16xi32>
    %add3A_407 = arith.constant 1 : i32
    %add3A_408 = vector.broadcast %add3A_407 : i32 to vector<16xi32>
    %add3A_409 = arith.addi %mul3A_406, %add3A_408 : vector<16xi32>
    tpu.vector_store_idx %arg7[%add3A_409], %select_n3A_389 : memref<128xi32, #tpu.memory_space<vmem>>[vector<16xi32>], vector<16xi32>,
    %iota3A_410 = tpu.iota {dimensions = array<i32: 0>} : vector<16xi32>
    %add3A_411 = arith.constant 32 : i32
    %add3A_412 = vector.broadcast %add3A_411 : i32 to vector<16xi32>
    %add3A_413 = arith.addi %iota3A_410, %add3A_412 : vector<16xi32>
    %mul3A_414 = arith.constant 8 : i32
    %mul3A_415 = vector.broadcast %mul3A_414 : i32 to vector<16xi32>
    %mul3A_416 = arith.muli %add3A_413, %mul3A_415 : vector<16xi32>
    %add3A_417 = arith.constant 0 : i32
    %add3A_418 = vector.broadcast %add3A_417 : i32 to vector<16xi32>
    %add3A_419 = arith.addi %mul3A_416, %add3A_418 : vector<16xi32>
    %gather3A_420 = tpu.vector_load_idx %arg5[%add3A_419] : memref<512xf32, #tpu.memory_space<vmem>>[vector<16xi32>], vector<16xf32>,
    %add3A_421 = arith.constant 1 : i32
    %add3A_422 = vector.broadcast %add3A_421 : i32 to vector<16xi32>
    %add3A_423 = arith.addi %mul3A_416, %add3A_422 : vector<16xi32>
    %gather3A_424 = tpu.vector_load_idx %arg5[%add3A_423] : memref<512xf32, #tpu.memory_space<vmem>>[vector<16xi32>], vector<16xf32>,
    %add3A_425 = arith.constant 2 : i32
    %add3A_426 = vector.broadcast %add3A_425 : i32 to vector<16xi32>
    %add3A_427 = arith.addi %mul3A_416, %add3A_426 : vector<16xi32>
    %gather3A_428 = tpu.vector_load_idx %arg5[%add3A_427] : memref<512xf32, #tpu.memory_space<vmem>>[vector<16xi32>], vector<16xf32>,
    %add3A_429 = arith.constant 3 : i32
    %add3A_430 = vector.broadcast %add3A_429 : i32 to vector<16xi32>
    %add3A_431 = arith.addi %mul3A_416, %add3A_430 : vector<16xi32>
    %gather3A_432 = tpu.vector_load_idx %arg5[%add3A_431] : memref<512xf32, #tpu.memory_space<vmem>>[vector<16xi32>], vector<16xf32>,
    %add3A_433 = arith.constant 4 : i32
    %add3A_434 = vector.broadcast %add3A_433 : i32 to vector<16xi32>
    %add3A_435 = arith.addi %mul3A_416, %add3A_434 : vector<16xi32>
    %gather3A_436 = tpu.vector_load_idx %arg5[%add3A_435] : memref<512xf32, #tpu.memory_space<vmem>>[vector<16xi32>], vector<16xf32>,
    %add3A_437 = arith.constant 5 : i32
    %add3A_438 = vector.broadcast %add3A_437 : i32 to vector<16xi32>
    %add3A_439 = arith.addi %mul3A_416, %add3A_438 : vector<16xi32>
    %gather3A_440 = tpu.vector_load_idx %arg5[%add3A_439] : memref<512xf32, #tpu.memory_space<vmem>>[vector<16xi32>], vector<16xf32>,
    %add3A_441 = arith.constant 6 : i32
    %add3A_442 = vector.broadcast %add3A_441 : i32 to vector<16xi32>
    %add3A_443 = arith.addi %mul3A_416, %add3A_442 : vector<16xi32>
    %gather3A_444 = tpu.vector_load_idx %arg5[%add3A_443] : memref<512xf32, #tpu.memory_space<vmem>>[vector<16xi32>], vector<16xf32>,
    %add3A_445 = arith.constant 7 : i32
    %add3A_446 = vector.broadcast %add3A_445 : i32 to vector<16xi32>
    %add3A_447 = arith.addi %mul3A_416, %add3A_446 : vector<16xi32>
    %gather3A_448 = tpu.vector_load_idx %arg5[%add3A_447] : memref<512xf32, #tpu.memory_space<vmem>>[vector<16xi32>], vector<16xf32>,
    %max3A_449 = arith.maximumf %gather3A_420, %gather3A_424 : vector<16xf32>
    %max3A_450 = arith.maximumf %max3A_449, %gather3A_428 : vector<16xf32>
    %max3A_451 = arith.maximumf %max3A_450, %gather3A_432 : vector<16xf32>
    %max3A_452 = arith.maximumf %max3A_451, %gather3A_436 : vector<16xf32>
    %max3A_453 = arith.maximumf %max3A_452, %gather3A_440 : vector<16xf32>
    %max3A_454 = arith.maximumf %max3A_453, %gather3A_444 : vector<16xf32>
    %max3A_455 = arith.maximumf %max3A_454, %gather3A_448 : vector<16xf32>
    %broadcast_in_dim3A_456 = arith.constant 0 : i32
    %broadcast_in_dim3A_457 = vector.broadcast %broadcast_in_dim3A_456 : i32 to vector<16xi32>
    %eq3A_458 = arith.cmpf oeq, %gather3A_448, %max3A_455 : vector<16xf32>
    %jit3A_459 = arith.constant 7 : i32
    %broadcast_in_dim3A_460 = vector.broadcast %jit3A_459 : i32 to vector<16xi32>
    %select_n3A_461 = arith.select %eq3A_458, %broadcast_in_dim3A_460, %broadcast_in_dim3A_457 : vector<16xi1>, vector<16xi32>
    %eq3A_462 = arith.cmpf oeq, %gather3A_444, %max3A_455 : vector<16xf32>
    %jit3A_463 = arith.constant 6 : i32
    %broadcast_in_dim3A_464 = vector.broadcast %jit3A_463 : i32 to vector<16xi32>
    %select_n3A_465 = arith.select %eq3A_462, %broadcast_in_dim3A_464, %select_n3A_461 : vector<16xi1>, vector<16xi32>
    %eq3A_466 = arith.cmpf oeq, %gather3A_440, %max3A_455 : vector<16xf32>
    %jit3A_467 = arith.constant 5 : i32
    %broadcast_in_dim3A_468 = vector.broadcast %jit3A_467 : i32 to vector<16xi32>
    %select_n3A_469 = arith.select %eq3A_466, %broadcast_in_dim3A_468, %select_n3A_465 : vector<16xi1>, vector<16xi32>
    %eq3A_470 = arith.cmpf oeq, %gather3A_436, %max3A_455 : vector<16xf32>
    %jit3A_471 = arith.constant 4 : i32
    %broadcast_in_dim3A_472 = vector.broadcast %jit3A_471 : i32 to vector<16xi32>
    %select_n3A_473 = arith.select %eq3A_470, %broadcast_in_dim3A_472, %select_n3A_469 : vector<16xi1>, vector<16xi32>
    %eq3A_474 = arith.cmpf oeq, %gather3A_432, %max3A_455 : vector<16xf32>
    %jit3A_475 = arith.constant 3 : i32
    %broadcast_in_dim3A_476 = vector.broadcast %jit3A_475 : i32 to vector<16xi32>
    %select_n3A_477 = arith.select %eq3A_474, %broadcast_in_dim3A_476, %select_n3A_473 : vector<16xi1>, vector<16xi32>
    %eq3A_478 = arith.cmpf oeq, %gather3A_428, %max3A_455 : vector<16xf32>
    %jit3A_479 = arith.constant 2 : i32
    %broadcast_in_dim3A_480 = vector.broadcast %jit3A_479 : i32 to vector<16xi32>
    %select_n3A_481 = arith.select %eq3A_478, %broadcast_in_dim3A_480, %select_n3A_477 : vector<16xi1>, vector<16xi32>
    %eq3A_482 = arith.cmpf oeq, %gather3A_424, %max3A_455 : vector<16xf32>
    %jit3A_483 = arith.constant 1 : i32
    %broadcast_in_dim3A_484 = vector.broadcast %jit3A_483 : i32 to vector<16xi32>
    %select_n3A_485 = arith.select %eq3A_482, %broadcast_in_dim3A_484, %select_n3A_481 : vector<16xi1>, vector<16xi32>
    %eq3A_486 = arith.cmpf oeq, %gather3A_420, %max3A_455 : vector<16xf32>
    %jit3A_487 = arith.constant 0 : i32
    %broadcast_in_dim3A_488 = vector.broadcast %jit3A_487 : i32 to vector<16xi32>
    %select_n3A_489 = arith.select %eq3A_486, %broadcast_in_dim3A_488, %select_n3A_485 : vector<16xi1>, vector<16xi32>
    %broadcast_in_dim3A_490 = arith.constant 0xFF800000 : f32
    %broadcast_in_dim3A_491 = vector.broadcast %broadcast_in_dim3A_490 : f32 to vector<16xf32>
    %eq3A_492 = arith.constant 0 : i32
    %eq3A_493 = vector.broadcast %eq3A_492 : i32 to vector<16xi32>
    %eq3A_494 = arith.cmpi eq, %select_n3A_489, %eq3A_493 : vector<16xi32>
    %select_n3A_495 = arith.select %eq3A_494, %broadcast_in_dim3A_491, %gather3A_420 : vector<16xi1>, vector<16xf32>
    %eq3A_496 = arith.constant 1 : i32
    %eq3A_497 = vector.broadcast %eq3A_496 : i32 to vector<16xi32>
    %eq3A_498 = arith.cmpi eq, %select_n3A_489, %eq3A_497 : vector<16xi32>
    %select_n3A_499 = arith.select %eq3A_498, %broadcast_in_dim3A_491, %gather3A_424 : vector<16xi1>, vector<16xf32>
    %eq3A_500 = arith.constant 2 : i32
    %eq3A_501 = vector.broadcast %eq3A_500 : i32 to vector<16xi32>
    %eq3A_502 = arith.cmpi eq, %select_n3A_489, %eq3A_501 : vector<16xi32>
    %select_n3A_503 = arith.select %eq3A_502, %broadcast_in_dim3A_491, %gather3A_428 : vector<16xi1>, vector<16xf32>
    %eq3A_504 = arith.constant 3 : i32
    %eq3A_505 = vector.broadcast %eq3A_504 : i32 to vector<16xi32>
    %eq3A_506 = arith.cmpi eq, %select_n3A_489, %eq3A_505 : vector<16xi32>
    %select_n3A_507 = arith.select %eq3A_506, %broadcast_in_dim3A_491, %gather3A_432 : vector<16xi1>, vector<16xf32>
    %eq3A_508 = arith.constant 4 : i32
    %eq3A_509 = vector.broadcast %eq3A_508 : i32 to vector<16xi32>
    %eq3A_510 = arith.cmpi eq, %select_n3A_489, %eq3A_509 : vector<16xi32>
    %select_n3A_511 = arith.select %eq3A_510, %broadcast_in_dim3A_491, %gather3A_436 : vector<16xi1>, vector<16xf32>
    %eq3A_512 = arith.constant 5 : i32
    %eq3A_513 = vector.broadcast %eq3A_512 : i32 to vector<16xi32>
    %eq3A_514 = arith.cmpi eq, %select_n3A_489, %eq3A_513 : vector<16xi32>
    %select_n3A_515 = arith.select %eq3A_514, %broadcast_in_dim3A_491, %gather3A_440 : vector<16xi1>, vector<16xf32>
    %eq3A_516 = arith.constant 6 : i32
    %eq3A_517 = vector.broadcast %eq3A_516 : i32 to vector<16xi32>
    %eq3A_518 = arith.cmpi eq, %select_n3A_489, %eq3A_517 : vector<16xi32>
    %select_n3A_519 = arith.select %eq3A_518, %broadcast_in_dim3A_491, %gather3A_444 : vector<16xi1>, vector<16xf32>
    %eq3A_520 = arith.constant 7 : i32
    %eq3A_521 = vector.broadcast %eq3A_520 : i32 to vector<16xi32>
    %eq3A_522 = arith.cmpi eq, %select_n3A_489, %eq3A_521 : vector<16xi32>
    %select_n3A_523 = arith.select %eq3A_522, %broadcast_in_dim3A_491, %gather3A_448 : vector<16xi1>, vector<16xf32>
    %max3A_524 = arith.maximumf %select_n3A_495, %select_n3A_499 : vector<16xf32>
    %max3A_525 = arith.maximumf %max3A_524, %select_n3A_503 : vector<16xf32>
    %max3A_526 = arith.maximumf %max3A_525, %select_n3A_507 : vector<16xf32>
    %max3A_527 = arith.maximumf %max3A_526, %select_n3A_511 : vector<16xf32>
    %max3A_528 = arith.maximumf %max3A_527, %select_n3A_515 : vector<16xf32>
    %max3A_529 = arith.maximumf %max3A_528, %select_n3A_519 : vector<16xf32>
    %max3A_530 = arith.maximumf %max3A_529, %select_n3A_523 : vector<16xf32>
    %broadcast_in_dim3A_531 = arith.constant 0 : i32
    %broadcast_in_dim3A_532 = vector.broadcast %broadcast_in_dim3A_531 : i32 to vector<16xi32>
    %eq3A_533 = arith.cmpf oeq, %select_n3A_523, %max3A_530 : vector<16xf32>
    %jit3A_534 = arith.constant 7 : i32
    %broadcast_in_dim3A_535 = vector.broadcast %jit3A_534 : i32 to vector<16xi32>
    %select_n3A_536 = arith.select %eq3A_533, %broadcast_in_dim3A_535, %broadcast_in_dim3A_532 : vector<16xi1>, vector<16xi32>
    %eq3A_537 = arith.cmpf oeq, %select_n3A_519, %max3A_530 : vector<16xf32>
    %jit3A_538 = arith.constant 6 : i32
    %broadcast_in_dim3A_539 = vector.broadcast %jit3A_538 : i32 to vector<16xi32>
    %select_n3A_540 = arith.select %eq3A_537, %broadcast_in_dim3A_539, %select_n3A_536 : vector<16xi1>, vector<16xi32>
    %eq3A_541 = arith.cmpf oeq, %select_n3A_515, %max3A_530 : vector<16xf32>
    %jit3A_542 = arith.constant 5 : i32
    %broadcast_in_dim3A_543 = vector.broadcast %jit3A_542 : i32 to vector<16xi32>
    %select_n3A_544 = arith.select %eq3A_541, %broadcast_in_dim3A_543, %select_n3A_540 : vector<16xi1>, vector<16xi32>
    %eq3A_545 = arith.cmpf oeq, %select_n3A_511, %max3A_530 : vector<16xf32>
    %jit3A_546 = arith.constant 4 : i32
    %broadcast_in_dim3A_547 = vector.broadcast %jit3A_546 : i32 to vector<16xi32>
    %select_n3A_548 = arith.select %eq3A_545, %broadcast_in_dim3A_547, %select_n3A_544 : vector<16xi1>, vector<16xi32>
    %eq3A_549 = arith.cmpf oeq, %select_n3A_507, %max3A_530 : vector<16xf32>
    %jit3A_550 = arith.constant 3 : i32
    %broadcast_in_dim3A_551 = vector.broadcast %jit3A_550 : i32 to vector<16xi32>
    %select_n3A_552 = arith.select %eq3A_549, %broadcast_in_dim3A_551, %select_n3A_548 : vector<16xi1>, vector<16xi32>
    %eq3A_553 = arith.cmpf oeq, %select_n3A_503, %max3A_530 : vector<16xf32>
    %jit3A_554 = arith.constant 2 : i32
    %broadcast_in_dim3A_555 = vector.broadcast %jit3A_554 : i32 to vector<16xi32>
    %select_n3A_556 = arith.select %eq3A_553, %broadcast_in_dim3A_555, %select_n3A_552 : vector<16xi1>, vector<16xi32>
    %eq3A_557 = arith.cmpf oeq, %select_n3A_499, %max3A_530 : vector<16xf32>
    %jit3A_558 = arith.constant 1 : i32
    %broadcast_in_dim3A_559 = vector.broadcast %jit3A_558 : i32 to vector<16xi32>
    %select_n3A_560 = arith.select %eq3A_557, %broadcast_in_dim3A_559, %select_n3A_556 : vector<16xi1>, vector<16xi32>
    %eq3A_561 = arith.cmpf oeq, %select_n3A_495, %max3A_530 : vector<16xf32>
    %jit3A_562 = arith.constant 0 : i32
    %broadcast_in_dim3A_563 = vector.broadcast %jit3A_562 : i32 to vector<16xi32>
    %select_n3A_564 = arith.select %eq3A_561, %broadcast_in_dim3A_563, %select_n3A_560 : vector<16xi1>, vector<16xi32>
    %sub3A_565 = arith.subf %max3A_530, %max3A_455 : vector<16xf32>
    %exp3A_566 = math.exp %sub3A_565 : vector<16xf32>
    %add3A_567 = arith.constant 1.000000e+00 : f32
    %add3A_568 = vector.broadcast %add3A_567 : f32 to vector<16xf32>
    %add3A_569 = arith.addf %add3A_568, %exp3A_566 : vector<16xf32>
    %div3A_570 = arith.constant 1.000000e+00 : f32
    %div3A_571 = vector.broadcast %div3A_570 : f32 to vector<16xf32>
    %div3A_572 = arith.divf %div3A_571, %add3A_569 : vector<16xf32>
    %div3A_573 = arith.divf %exp3A_566, %add3A_569 : vector<16xf32>
    %add3A_574 = arith.addi %mul3A_416, %select_n3A_489 : vector<16xi32>
    tpu.vector_store_idx %arg6[%add3A_574], %div3A_572 : memref<512xf32, #tpu.memory_space<vmem>>[vector<16xi32>], vector<16xf32>,
    %add3A_575 = arith.addi %mul3A_416, %select_n3A_564 : vector<16xi32>
    tpu.vector_store_idx %arg6[%add3A_575], %div3A_573 : memref<512xf32, #tpu.memory_space<vmem>>[vector<16xi32>], vector<16xf32>,
    %mul3A_576 = arith.constant 2 : i32
    %mul3A_577 = vector.broadcast %mul3A_576 : i32 to vector<16xi32>
    %mul3A_578 = arith.muli %add3A_413, %mul3A_577 : vector<16xi32>
    tpu.vector_store_idx %arg7[%mul3A_578], %select_n3A_489 : memref<128xi32, #tpu.memory_space<vmem>>[vector<16xi32>], vector<16xi32>,
    %mul3A_579 = arith.constant 2 : i32
    %mul3A_580 = vector.broadcast %mul3A_579 : i32 to vector<16xi32>
    %mul3A_581 = arith.muli %add3A_413, %mul3A_580 : vector<16xi32>
    %add3A_582 = arith.constant 1 : i32
    %add3A_583 = vector.broadcast %add3A_582 : i32 to vector<16xi32>
    %add3A_584 = arith.addi %mul3A_581, %add3A_583 : vector<16xi32>
    tpu.vector_store_idx %arg7[%add3A_584], %select_n3A_564 : memref<128xi32, #tpu.memory_space<vmem>>[vector<16xi32>], vector<16xi32>,
    %iota3A_585 = tpu.iota {dimensions = array<i32: 0>} : vector<16xi32>
    %add3A_586 = arith.constant 48 : i32
    %add3A_587 = vector.broadcast %add3A_586 : i32 to vector<16xi32>
    %add3A_588 = arith.addi %iota3A_585, %add3A_587 : vector<16xi32>
    %mul3A_589 = arith.constant 8 : i32
    %mul3A_590 = vector.broadcast %mul3A_589 : i32 to vector<16xi32>
    %mul3A_591 = arith.muli %add3A_588, %mul3A_590 : vector<16xi32>
    %add3A_592 = arith.constant 0 : i32
    %add3A_593 = vector.broadcast %add3A_592 : i32 to vector<16xi32>
    %add3A_594 = arith.addi %mul3A_591, %add3A_593 : vector<16xi32>
    %gather3A_595 = tpu.vector_load_idx %arg5[%add3A_594] : memref<512xf32, #tpu.memory_space<vmem>>[vector<16xi32>], vector<16xf32>,
    %add3A_596 = arith.constant 1 : i32
    %add3A_597 = vector.broadcast %add3A_596 : i32 to vector<16xi32>
    %add3A_598 = arith.addi %mul3A_591, %add3A_597 : vector<16xi32>
    %gather3A_599 = tpu.vector_load_idx %arg5[%add3A_598] : memref<512xf32, #tpu.memory_space<vmem>>[vector<16xi32>], vector<16xf32>,
    %add3A_600 = arith.constant 2 : i32
    %add3A_601 = vector.broadcast %add3A_600 : i32 to vector<16xi32>
    %add3A_602 = arith.addi %mul3A_591, %add3A_601 : vector<16xi32>
    %gather3A_603 = tpu.vector_load_idx %arg5[%add3A_602] : memref<512xf32, #tpu.memory_space<vmem>>[vector<16xi32>], vector<16xf32>,
    %add3A_604 = arith.constant 3 : i32
    %add3A_605 = vector.broadcast %add3A_604 : i32 to vector<16xi32>
    %add3A_606 = arith.addi %mul3A_591, %add3A_605 : vector<16xi32>
    %gather3A_607 = tpu.vector_load_idx %arg5[%add3A_606] : memref<512xf32, #tpu.memory_space<vmem>>[vector<16xi32>], vector<16xf32>,
    %add3A_608 = arith.constant 4 : i32
    %add3A_609 = vector.broadcast %add3A_608 : i32 to vector<16xi32>
    %add3A_610 = arith.addi %mul3A_591, %add3A_609 : vector<16xi32>
    %gather3A_611 = tpu.vector_load_idx %arg5[%add3A_610] : memref<512xf32, #tpu.memory_space<vmem>>[vector<16xi32>], vector<16xf32>,
    %add3A_612 = arith.constant 5 : i32
    %add3A_613 = vector.broadcast %add3A_612 : i32 to vector<16xi32>
    %add3A_614 = arith.addi %mul3A_591, %add3A_613 : vector<16xi32>
    %gather3A_615 = tpu.vector_load_idx %arg5[%add3A_614] : memref<512xf32, #tpu.memory_space<vmem>>[vector<16xi32>], vector<16xf32>,
    %add3A_616 = arith.constant 6 : i32
    %add3A_617 = vector.broadcast %add3A_616 : i32 to vector<16xi32>
    %add3A_618 = arith.addi %mul3A_591, %add3A_617 : vector<16xi32>
    %gather3A_619 = tpu.vector_load_idx %arg5[%add3A_618] : memref<512xf32, #tpu.memory_space<vmem>>[vector<16xi32>], vector<16xf32>,
    %add3A_620 = arith.constant 7 : i32
    %add3A_621 = vector.broadcast %add3A_620 : i32 to vector<16xi32>
    %add3A_622 = arith.addi %mul3A_591, %add3A_621 : vector<16xi32>
    %gather3A_623 = tpu.vector_load_idx %arg5[%add3A_622] : memref<512xf32, #tpu.memory_space<vmem>>[vector<16xi32>], vector<16xf32>,
    %max3A_624 = arith.maximumf %gather3A_595, %gather3A_599 : vector<16xf32>
    %max3A_625 = arith.maximumf %max3A_624, %gather3A_603 : vector<16xf32>
    %max3A_626 = arith.maximumf %max3A_625, %gather3A_607 : vector<16xf32>
    %max3A_627 = arith.maximumf %max3A_626, %gather3A_611 : vector<16xf32>
    %max3A_628 = arith.maximumf %max3A_627, %gather3A_615 : vector<16xf32>
    %max3A_629 = arith.maximumf %max3A_628, %gather3A_619 : vector<16xf32>
    %max3A_630 = arith.maximumf %max3A_629, %gather3A_623 : vector<16xf32>
    %broadcast_in_dim3A_631 = arith.constant 0 : i32
    %broadcast_in_dim3A_632 = vector.broadcast %broadcast_in_dim3A_631 : i32 to vector<16xi32>
    %eq3A_633 = arith.cmpf oeq, %gather3A_623, %max3A_630 : vector<16xf32>
    %jit3A_634 = arith.constant 7 : i32
    %broadcast_in_dim3A_635 = vector.broadcast %jit3A_634 : i32 to vector<16xi32>
    %select_n3A_636 = arith.select %eq3A_633, %broadcast_in_dim3A_635, %broadcast_in_dim3A_632 : vector<16xi1>, vector<16xi32>
    %eq3A_637 = arith.cmpf oeq, %gather3A_619, %max3A_630 : vector<16xf32>
    %jit3A_638 = arith.constant 6 : i32
    %broadcast_in_dim3A_639 = vector.broadcast %jit3A_638 : i32 to vector<16xi32>
    %select_n3A_640 = arith.select %eq3A_637, %broadcast_in_dim3A_639, %select_n3A_636 : vector<16xi1>, vector<16xi32>
    %eq3A_641 = arith.cmpf oeq, %gather3A_615, %max3A_630 : vector<16xf32>
    %jit3A_642 = arith.constant 5 : i32
    %broadcast_in_dim3A_643 = vector.broadcast %jit3A_642 : i32 to vector<16xi32>
    %select_n3A_644 = arith.select %eq3A_641, %broadcast_in_dim3A_643, %select_n3A_640 : vector<16xi1>, vector<16xi32>
    %eq3A_645 = arith.cmpf oeq, %gather3A_611, %max3A_630 : vector<16xf32>
    %jit3A_646 = arith.constant 4 : i32
    %broadcast_in_dim3A_647 = vector.broadcast %jit3A_646 : i32 to vector<16xi32>
    %select_n3A_648 = arith.select %eq3A_645, %broadcast_in_dim3A_647, %select_n3A_644 : vector<16xi1>, vector<16xi32>
    %eq3A_649 = arith.cmpf oeq, %gather3A_607, %max3A_630 : vector<16xf32>
    %jit3A_650 = arith.constant 3 : i32
    %broadcast_in_dim3A_651 = vector.broadcast %jit3A_650 : i32 to vector<16xi32>
    %select_n3A_652 = arith.select %eq3A_649, %broadcast_in_dim3A_651, %select_n3A_648 : vector<16xi1>, vector<16xi32>
    %eq3A_653 = arith.cmpf oeq, %gather3A_603, %max3A_630 : vector<16xf32>
    %jit3A_654 = arith.constant 2 : i32
    %broadcast_in_dim3A_655 = vector.broadcast %jit3A_654 : i32 to vector<16xi32>
    %select_n3A_656 = arith.select %eq3A_653, %broadcast_in_dim3A_655, %select_n3A_652 : vector<16xi1>, vector<16xi32>
    %eq3A_657 = arith.cmpf oeq, %gather3A_599, %max3A_630 : vector<16xf32>
    %jit3A_658 = arith.constant 1 : i32
    %broadcast_in_dim3A_659 = vector.broadcast %jit3A_658 : i32 to vector<16xi32>
    %select_n3A_660 = arith.select %eq3A_657, %broadcast_in_dim3A_659, %select_n3A_656 : vector<16xi1>, vector<16xi32>
    %eq3A_661 = arith.cmpf oeq, %gather3A_595, %max3A_630 : vector<16xf32>
    %jit3A_662 = arith.constant 0 : i32
    %broadcast_in_dim3A_663 = vector.broadcast %jit3A_662 : i32 to vector<16xi32>
    %select_n3A_664 = arith.select %eq3A_661, %broadcast_in_dim3A_663, %select_n3A_660 : vector<16xi1>, vector<16xi32>
    %broadcast_in_dim3A_665 = arith.constant 0xFF800000 : f32
    %broadcast_in_dim3A_666 = vector.broadcast %broadcast_in_dim3A_665 : f32 to vector<16xf32>
    %eq3A_667 = arith.constant 0 : i32
    %eq3A_668 = vector.broadcast %eq3A_667 : i32 to vector<16xi32>
    %eq3A_669 = arith.cmpi eq, %select_n3A_664, %eq3A_668 : vector<16xi32>
    %select_n3A_670 = arith.select %eq3A_669, %broadcast_in_dim3A_666, %gather3A_595 : vector<16xi1>, vector<16xf32>
    %eq3A_671 = arith.constant 1 : i32
    %eq3A_672 = vector.broadcast %eq3A_671 : i32 to vector<16xi32>
    %eq3A_673 = arith.cmpi eq, %select_n3A_664, %eq3A_672 : vector<16xi32>
    %select_n3A_674 = arith.select %eq3A_673, %broadcast_in_dim3A_666, %gather3A_599 : vector<16xi1>, vector<16xf32>
    %eq3A_675 = arith.constant 2 : i32
    %eq3A_676 = vector.broadcast %eq3A_675 : i32 to vector<16xi32>
    %eq3A_677 = arith.cmpi eq, %select_n3A_664, %eq3A_676 : vector<16xi32>
    %select_n3A_678 = arith.select %eq3A_677, %broadcast_in_dim3A_666, %gather3A_603 : vector<16xi1>, vector<16xf32>
    %eq3A_679 = arith.constant 3 : i32
    %eq3A_680 = vector.broadcast %eq3A_679 : i32 to vector<16xi32>
    %eq3A_681 = arith.cmpi eq, %select_n3A_664, %eq3A_680 : vector<16xi32>
    %select_n3A_682 = arith.select %eq3A_681, %broadcast_in_dim3A_666, %gather3A_607 : vector<16xi1>, vector<16xf32>
    %eq3A_683 = arith.constant 4 : i32
    %eq3A_684 = vector.broadcast %eq3A_683 : i32 to vector<16xi32>
    %eq3A_685 = arith.cmpi eq, %select_n3A_664, %eq3A_684 : vector<16xi32>
    %select_n3A_686 = arith.select %eq3A_685, %broadcast_in_dim3A_666, %gather3A_611 : vector<16xi1>, vector<16xf32>
    %eq3A_687 = arith.constant 5 : i32
    %eq3A_688 = vector.broadcast %eq3A_687 : i32 to vector<16xi32>
    %eq3A_689 = arith.cmpi eq, %select_n3A_664, %eq3A_688 : vector<16xi32>
    %select_n3A_690 = arith.select %eq3A_689, %broadcast_in_dim3A_666, %gather3A_615 : vector<16xi1>, vector<16xf32>
    %eq3A_691 = arith.constant 6 : i32
    %eq3A_692 = vector.broadcast %eq3A_691 : i32 to vector<16xi32>
    %eq3A_693 = arith.cmpi eq, %select_n3A_664, %eq3A_692 : vector<16xi32>
    %select_n3A_694 = arith.select %eq3A_693, %broadcast_in_dim3A_666, %gather3A_619 : vector<16xi1>, vector<16xf32>
    %eq3A_695 = arith.constant 7 : i32
    %eq3A_696 = vector.broadcast %eq3A_695 : i32 to vector<16xi32>
    %eq3A_697 = arith.cmpi eq, %select_n3A_664, %eq3A_696 : vector<16xi32>
    %select_n3A_698 = arith.select %eq3A_697, %broadcast_in_dim3A_666, %gather3A_623 : vector<16xi1>, vector<16xf32>
    %max3A_699 = arith.maximumf %select_n3A_670, %select_n3A_674 : vector<16xf32>
    %max3A_700 = arith.maximumf %max3A_699, %select_n3A_678 : vector<16xf32>
    %max3A_701 = arith.maximumf %max3A_700, %select_n3A_682 : vector<16xf32>
    %max3A_702 = arith.maximumf %max3A_701, %select_n3A_686 : vector<16xf32>
    %max3A_703 = arith.maximumf %max3A_702, %select_n3A_690 : vector<16xf32>
    %max3A_704 = arith.maximumf %max3A_703, %select_n3A_694 : vector<16xf32>
    %max3A_705 = arith.maximumf %max3A_704, %select_n3A_698 : vector<16xf32>
    %broadcast_in_dim3A_706 = arith.constant 0 : i32
    %broadcast_in_dim3A_707 = vector.broadcast %broadcast_in_dim3A_706 : i32 to vector<16xi32>
    %eq3A_708 = arith.cmpf oeq, %select_n3A_698, %max3A_705 : vector<16xf32>
    %jit3A_709 = arith.constant 7 : i32
    %broadcast_in_dim3A_710 = vector.broadcast %jit3A_709 : i32 to vector<16xi32>
    %select_n3A_711 = arith.select %eq3A_708, %broadcast_in_dim3A_710, %broadcast_in_dim3A_707 : vector<16xi1>, vector<16xi32>
    %eq3A_712 = arith.cmpf oeq, %select_n3A_694, %max3A_705 : vector<16xf32>
    %jit3A_713 = arith.constant 6 : i32
    %broadcast_in_dim3A_714 = vector.broadcast %jit3A_713 : i32 to vector<16xi32>
    %select_n3A_715 = arith.select %eq3A_712, %broadcast_in_dim3A_714, %select_n3A_711 : vector<16xi1>, vector<16xi32>
    %eq3A_716 = arith.cmpf oeq, %select_n3A_690, %max3A_705 : vector<16xf32>
    %jit3A_717 = arith.constant 5 : i32
    %broadcast_in_dim3A_718 = vector.broadcast %jit3A_717 : i32 to vector<16xi32>
    %select_n3A_719 = arith.select %eq3A_716, %broadcast_in_dim3A_718, %select_n3A_715 : vector<16xi1>, vector<16xi32>
    %eq3A_720 = arith.cmpf oeq, %select_n3A_686, %max3A_705 : vector<16xf32>
    %jit3A_721 = arith.constant 4 : i32
    %broadcast_in_dim3A_722 = vector.broadcast %jit3A_721 : i32 to vector<16xi32>
    %select_n3A_723 = arith.select %eq3A_720, %broadcast_in_dim3A_722, %select_n3A_719 : vector<16xi1>, vector<16xi32>
    %eq3A_724 = arith.cmpf oeq, %select_n3A_682, %max3A_705 : vector<16xf32>
    %jit3A_725 = arith.constant 3 : i32
    %broadcast_in_dim3A_726 = vector.broadcast %jit3A_725 : i32 to vector<16xi32>
    %select_n3A_727 = arith.select %eq3A_724, %broadcast_in_dim3A_726, %select_n3A_723 : vector<16xi1>, vector<16xi32>
    %eq3A_728 = arith.cmpf oeq, %select_n3A_678, %max3A_705 : vector<16xf32>
    %jit3A_729 = arith.constant 2 : i32
    %broadcast_in_dim3A_730 = vector.broadcast %jit3A_729 : i32 to vector<16xi32>
    %select_n3A_731 = arith.select %eq3A_728, %broadcast_in_dim3A_730, %select_n3A_727 : vector<16xi1>, vector<16xi32>
    %eq3A_732 = arith.cmpf oeq, %select_n3A_674, %max3A_705 : vector<16xf32>
    %jit3A_733 = arith.constant 1 : i32
    %broadcast_in_dim3A_734 = vector.broadcast %jit3A_733 : i32 to vector<16xi32>
    %select_n3A_735 = arith.select %eq3A_732, %broadcast_in_dim3A_734, %select_n3A_731 : vector<16xi1>, vector<16xi32>
    %eq3A_736 = arith.cmpf oeq, %select_n3A_670, %max3A_705 : vector<16xf32>
    %jit3A_737 = arith.constant 0 : i32
    %broadcast_in_dim3A_738 = vector.broadcast %jit3A_737 : i32 to vector<16xi32>
    %select_n3A_739 = arith.select %eq3A_736, %broadcast_in_dim3A_738, %select_n3A_735 : vector<16xi1>, vector<16xi32>
    %sub3A_740 = arith.subf %max3A_705, %max3A_630 : vector<16xf32>
    %exp3A_741 = math.exp %sub3A_740 : vector<16xf32>
    %add3A_742 = arith.constant 1.000000e+00 : f32
    %add3A_743 = vector.broadcast %add3A_742 : f32 to vector<16xf32>
    %add3A_744 = arith.addf %add3A_743, %exp3A_741 : vector<16xf32>
    %div3A_745 = arith.constant 1.000000e+00 : f32
    %div3A_746 = vector.broadcast %div3A_745 : f32 to vector<16xf32>
    %div3A_747 = arith.divf %div3A_746, %add3A_744 : vector<16xf32>
    %div3A_748 = arith.divf %exp3A_741, %add3A_744 : vector<16xf32>
    %add3A_749 = arith.addi %mul3A_591, %select_n3A_664 : vector<16xi32>
    tpu.vector_store_idx %arg6[%add3A_749], %div3A_747 : memref<512xf32, #tpu.memory_space<vmem>>[vector<16xi32>], vector<16xf32>,
    %add3A_750 = arith.addi %mul3A_591, %select_n3A_739 : vector<16xi32>
    tpu.vector_store_idx %arg6[%add3A_750], %div3A_748 : memref<512xf32, #tpu.memory_space<vmem>>[vector<16xi32>], vector<16xf32>,
    %mul3A_751 = arith.constant 2 : i32
    %mul3A_752 = vector.broadcast %mul3A_751 : i32 to vector<16xi32>
    %mul3A_753 = arith.muli %add3A_588, %mul3A_752 : vector<16xi32>
    tpu.vector_store_idx %arg7[%mul3A_753], %select_n3A_664 : memref<128xi32, #tpu.memory_space<vmem>>[vector<16xi32>], vector<16xi32>,
    %mul3A_754 = arith.constant 2 : i32
    %mul3A_755 = vector.broadcast %mul3A_754 : i32 to vector<16xi32>
    %mul3A_756 = arith.muli %add3A_588, %mul3A_755 : vector<16xi32>
    %add3A_757 = arith.constant 1 : i32
    %add3A_758 = vector.broadcast %add3A_757 : i32 to vector<16xi32>
    %add3A_759 = arith.addi %mul3A_756, %add3A_758 : vector<16xi32>
    tpu.vector_store_idx %arg7[%add3A_759], %select_n3A_739 : memref<128xi32, #tpu.memory_space<vmem>>[vector<16xi32>], vector<16xi32>,
    "tpu.region"() ({
      %run_scoped3A = tpu.sem_alloc : memref<!tpu.dma_semaphore, #tpu.memory_space<semaphore_mem>>
      %dma_start3A = tpu.memref_slice %arg3[%mul3A_4] : memref<16384xf32, #tpu.memory_space<hbm>> -> memref<512xf32, #tpu.memory_space<hbm>>
      %dma_start3A_764 = tpu.memref_slice %arg3[%mul3A_4] : memref<16384xf32, #tpu.memory_space<hbm>> -> memref<512xf32, #tpu.memory_space<hbm>>
      tpu.enqueue_dma source(%arg6 : memref<512xf32, #tpu.memory_space<vmem>>) target(%dma_start3A_764 : memref<512xf32, #tpu.memory_space<hbm>>) target_semaphore(%run_scoped3A : memref<!tpu.dma_semaphore, #tpu.memory_space<semaphore_mem>>)
      %dma_wait3A = tpu.memref_slice %arg3[%mul3A_4] : memref<16384xf32, #tpu.memory_space<hbm>> -> memref<512xf32, #tpu.memory_space<hbm>>
      %dma_wait3A_765 = tpu.memref_slice %arg3[%mul3A_4] : memref<16384xf32, #tpu.memory_space<hbm>> -> memref<512xf32, #tpu.memory_space<hbm>>
      tpu.wait_dma2 semaphore(%run_scoped3A : memref<!tpu.dma_semaphore, #tpu.memory_space<semaphore_mem>>) src(%arg6 : memref<512xf32, #tpu.memory_space<vmem>>) dst(%dma_wait3A_765 : memref<512xf32, #tpu.memory_space<hbm>>)
      tpu.yield
    }) : () -> ()
    %mul3A_760 = arith.constant 64 : i32
    %mul3A_761 = arith.muli %add3A, %mul3A_760 : i32
    %mul3A_762 = arith.constant 2 : i32
    %mul3A_763 = arith.muli %mul3A_761, %mul3A_762 : i32
    "tpu.region"() ({
      %run_scoped3A = tpu.sem_alloc : memref<!tpu.dma_semaphore, #tpu.memory_space<semaphore_mem>>
      %dma_start3A = tpu.memref_slice %arg4[%mul3A_763] : memref<4096xi32, #tpu.memory_space<hbm>> -> memref<128xi32, #tpu.memory_space<hbm>>
      %dma_start3A_764 = tpu.memref_slice %arg4[%mul3A_763] : memref<4096xi32, #tpu.memory_space<hbm>> -> memref<128xi32, #tpu.memory_space<hbm>>
      tpu.enqueue_dma source(%arg7 : memref<128xi32, #tpu.memory_space<vmem>>) target(%dma_start3A_764 : memref<128xi32, #tpu.memory_space<hbm>>) target_semaphore(%run_scoped3A : memref<!tpu.dma_semaphore, #tpu.memory_space<semaphore_mem>>)
      %dma_wait3A = tpu.memref_slice %arg4[%mul3A_763] : memref<4096xi32, #tpu.memory_space<hbm>> -> memref<128xi32, #tpu.memory_space<hbm>>
      %dma_wait3A_765 = tpu.memref_slice %arg4[%mul3A_763] : memref<4096xi32, #tpu.memory_space<hbm>> -> memref<128xi32, #tpu.memory_space<hbm>>
      tpu.wait_dma2 semaphore(%run_scoped3A : memref<!tpu.dma_semaphore, #tpu.memory_space<semaphore_mem>>) src(%arg7 : memref<128xi32, #tpu.memory_space<vmem>>) dst(%dma_wait3A_765 : memref<128xi32, #tpu.memory_space<hbm>>)
      tpu.yield
    }) : () -> ()
    return
  }
}

module attributes {stable_mosaic.version = 14 : i64} {
  func.func @_prep_body(%arg0: memref<8x1536xf32, #tpu.memory_space<vmem>>, %arg1: memref<1536x3072xbf16, #tpu.memory_space<vmem>>, %arg2: memref<1x3072xf32, #tpu.memory_space<vmem>>, %arg3: memref<8x3072xf32, #tpu.memory_space<vmem>>) attributes {dimension_semantics = [], scalar_prefetch = 0 : i64, scratch_operands = 0 : i64, tpu.core_type = #tpu.core_type<tc>} {
    %get3A = arith.constant 0 : index
    %get3A_0 = arith.constant 0 : index
    %get3A_1 = vector.load %arg0[%get3A, %get3A_0] : memref<8x1536xf32, #tpu.memory_space<vmem>>, vector<8x1536xf32>
    %get3A_2 = arith.constant 0 : index
    %get3A_3 = arith.constant 0 : index
    %get3A_4 = vector.load %arg1[%get3A_2, %get3A_3] : memref<1536x3072xbf16, #tpu.memory_space<vmem>>, vector<1536x3072xbf16>
    %convert_element_type3A = arith.truncf %get3A_1 : vector<8x1536xf32> to vector<8x1536xbf16>
    %dot_general3A = arith.constant dense<0.000000e+00> : vector<8x3072xf32>
    %dot_general3A_5 = tpu.matmul %convert_element_type3A, %get3A_4, %dot_general3A {dimension_numbers = #tpu.dot_dimension_numbers<[1], [0], [0], [1], [0, 0, 1, 1], [], []>, transpose_lhs_hint = false} : vector<8x1536xbf16>, vector<1536x3072xbf16>, vector<8x3072xf32> -> vector<8x3072xf32>
    %get3A_6 = arith.constant 0 : index
    %get3A_7 = arith.constant 0 : index
    %get3A_8 = vector.load %arg2[%get3A_6, %get3A_7] : memref<1x3072xf32, #tpu.memory_space<vmem>>, vector<1x3072xf32>
    %add3A = vector.broadcast %get3A_8 : vector<1x3072xf32> to vector<8x3072xf32>
    %add3A_9 = arith.addf %dot_general3A_5, %add3A : vector<8x3072xf32>
    %swap3A = arith.constant 0 : index
    %swap3A_10 = arith.constant 0 : index
    %swap3A_11 = vector.load %arg3[%swap3A, %swap3A_10] : memref<8x3072xf32, #tpu.memory_space<vmem>>, vector<8x3072xf32>
    tpu.vector_store %arg3[%swap3A, %swap3A_10], %add3A_9 {strides = array<i32>} : memref<8x3072xf32, #tpu.memory_space<vmem>>, vector<8x3072xf32>,
    return
  }
}

module attributes {stable_mosaic.version = 14 : i64} {
  func.func @_main_body(%arg0: i32, %arg1: memref<256x768xf32, #tpu.memory_space<vmem>>, %arg2: memref<768x3072xbf16, #tpu.memory_space<vmem>>, %arg3: memref<8x3072xf32, #tpu.memory_space<vmem>>, %arg4: memref<3072x8xbf16, #tpu.memory_space<vmem>>, %arg5: memref<768x16xbf16, #tpu.memory_space<vmem>>, %arg6: memref<1x16xf32, #tpu.memory_space<vmem>>, %arg7: memref<16x8xbf16, #tpu.memory_space<vmem>>, %arg8: memref<1x8xf32, #tpu.memory_space<vmem>>, %arg9: memref<1x8xf32, #tpu.memory_space<vmem>>, %arg10: memref<256x8xf32, #tpu.memory_space<vmem>>, %arg11: memref<1x1xf32, #tpu.memory_space<smem>>, %arg12: memref<256x8xf32, #tpu.memory_space<vmem>>) attributes {dimension_semantics = [#tpu.dimension_semantics<arbitrary>], iteration_bounds = array<i64: 8>, scalar_prefetch = 0 : i64, scratch_operands = 0 : i64, tpu.core_type = #tpu.core_type<tc>, window_params = [{transform_indices = @transform_0, window_bounds = array<i64: 256, 768>}, {pipeline_mode = #tpu.pipeline_mode<synchronous>, transform_indices = @transform_1, window_bounds = array<i64: 768, 3072>}, {pipeline_mode = #tpu.pipeline_mode<synchronous>, transform_indices = @transform_2, window_bounds = array<i64: 8, 3072>}, {pipeline_mode = #tpu.pipeline_mode<synchronous>, transform_indices = @transform_3, window_bounds = array<i64: 3072, 8>}, {pipeline_mode = #tpu.pipeline_mode<synchronous>, transform_indices = @transform_4, window_bounds = array<i64: 768, 16>}, {pipeline_mode = #tpu.pipeline_mode<synchronous>, transform_indices = @transform_5, window_bounds = array<i64: 1, 16>}, {pipeline_mode = #tpu.pipeline_mode<synchronous>, transform_indices = @transform_6, window_bounds = array<i64: 16, 8>}, {pipeline_mode = #tpu.pipeline_mode<synchronous>, transform_indices = @transform_7, window_bounds = array<i64: 1, 8>}, {pipeline_mode = #tpu.pipeline_mode<synchronous>, transform_indices = @transform_8, window_bounds = array<i64: 1, 8>}, {transform_indices = @transform_9, window_bounds = array<i64: 256, 8>}, {transform_indices = @transform_10, window_bounds = array<i64: 1, 1>}, {transform_indices = @transform_11, window_bounds = array<i64: 256, 8>}]} {
    %get3A = arith.constant 0 : index
    %get3A_0 = arith.constant 0 : index
    %get3A_1 = vector.load %arg1[%get3A, %get3A_0] : memref<256x768xf32, #tpu.memory_space<vmem>>, vector<256x768xf32>
    %get3A_2 = arith.constant 0 : index
    %get3A_3 = arith.constant 0 : index
    %get3A_4 = vector.load %arg2[%get3A_2, %get3A_3] : memref<768x3072xbf16, #tpu.memory_space<vmem>>, vector<768x3072xbf16>
    %convert_element_type3A = arith.truncf %get3A_1 : vector<256x768xf32> to vector<256x768xbf16>
    %dot_general3A = arith.constant dense<0.000000e+00> : vector<256x3072xf32>
    %dot_general3A_5 = tpu.matmul %convert_element_type3A, %get3A_4, %dot_general3A {dimension_numbers = #tpu.dot_dimension_numbers<[1], [0], [0], [1], [0, 0, 1, 1], [], []>, transpose_lhs_hint = false} : vector<256x768xbf16>, vector<768x3072xbf16>, vector<256x3072xf32> -> vector<256x3072xf32>
    %get3A_6 = arith.constant 0 : index
    %get3A_7 = arith.constant 0 : index
    %get3A_8 = vector.load %arg3[%get3A_6, %get3A_7] : memref<8x3072xf32, #tpu.memory_space<vmem>>, vector<1x3072xf32>
    %add3A = vector.broadcast %get3A_8 : vector<1x3072xf32> to vector<256x3072xf32>
    %add3A_9 = arith.addf %dot_general3A_5, %add3A : vector<256x3072xf32>
    %mul3A = arith.constant 5.000000e-01 : f32
    %mul3A_10 = vector.broadcast %mul3A : f32 to vector<256x3072xf32>
    %mul3A_11 = arith.mulf %mul3A_10, %add3A_9 : vector<256x3072xf32>
    %mul3A_12 = arith.constant 0.707106769 : f32
    %mul3A_13 = vector.broadcast %mul3A_12 : f32 to vector<256x3072xf32>
    %mul3A_14 = arith.mulf %add3A_9, %mul3A_13 : vector<256x3072xf32>
    %erf3A = math.erf %mul3A_14 : vector<256x3072xf32>
    %add3A_15 = arith.constant 1.000000e+00 : f32
    %add3A_16 = vector.broadcast %add3A_15 : f32 to vector<256x3072xf32>
    %add3A_17 = arith.addf %add3A_16, %erf3A : vector<256x3072xf32>
    %mul3A_18 = arith.mulf %mul3A_11, %add3A_17 : vector<256x3072xf32>
    %get3A_19 = arith.constant 0 : index
    %get3A_20 = arith.constant 0 : index
    %get3A_21 = vector.load %arg4[%get3A_19, %get3A_20] : memref<3072x8xbf16, #tpu.memory_space<vmem>>, vector<3072x8xbf16>
    %convert_element_type3A_22 = arith.truncf %mul3A_18 : vector<256x3072xf32> to vector<256x3072xbf16>
    %dot_general3A_23 = arith.constant dense<0.000000e+00> : vector<256x8xf32>
    %dot_general3A_24 = tpu.matmul %convert_element_type3A_22, %get3A_21, %dot_general3A_23 {dimension_numbers = #tpu.dot_dimension_numbers<[1], [0], [0], [1], [0, 0, 1, 1], [], []>, transpose_lhs_hint = false} : vector<256x3072xbf16>, vector<3072x8xbf16>, vector<256x8xf32> -> vector<256x8xf32>
    %get3A_25 = arith.constant 0 : index
    %get3A_26 = arith.constant 0 : index
    %get3A_27 = vector.load %arg9[%get3A_25, %get3A_26] : memref<1x8xf32, #tpu.memory_space<vmem>>, vector<1x8xf32>
    %add3A_28 = vector.broadcast %get3A_27 : vector<1x8xf32> to vector<256x8xf32>
    %add3A_29 = arith.addf %dot_general3A_24, %add3A_28 : vector<256x8xf32>
    %reduce_sum3A = arith.constant dense<0.000000e+00> : vector<256xf32>
    %reduce_sum3A_30 = vector.multi_reduction <add>, %add3A_29, %reduce_sum3A [1] : vector<256x8xf32> to vector<256xf32>
    %broadcast_in_dim3A = vector.shape_cast %reduce_sum3A_30 : vector<256xf32> to vector<256x1xf32>
    %div3A = arith.constant 8.000000e+00 : f32
    %div3A_31 = vector.broadcast %div3A : f32 to vector<256x1xf32>
    %div3A_32 = arith.divf %broadcast_in_dim3A, %div3A_31 : vector<256x1xf32>
    %get3A_33 = arith.constant 1 : index
    %get3A_34 = arith.constant 0 : index
    %get3A_35 = vector.load %arg3[%get3A_33, %get3A_34] : memref<8x3072xf32, #tpu.memory_space<vmem>>, vector<1x3072xf32>
    %add3A_36 = vector.broadcast %get3A_35 : vector<1x3072xf32> to vector<256x3072xf32>
    %add3A_37 = arith.addf %dot_general3A_5, %add3A_36 : vector<256x3072xf32>
    %mul3A_38 = arith.constant 5.000000e-01 : f32
    %mul3A_39 = vector.broadcast %mul3A_38 : f32 to vector<256x3072xf32>
    %mul3A_40 = arith.mulf %mul3A_39, %add3A_37 : vector<256x3072xf32>
    %mul3A_41 = arith.constant 0.707106769 : f32
    %mul3A_42 = vector.broadcast %mul3A_41 : f32 to vector<256x3072xf32>
    %mul3A_43 = arith.mulf %add3A_37, %mul3A_42 : vector<256x3072xf32>
    %erf3A_44 = math.erf %mul3A_43 : vector<256x3072xf32>
    %add3A_45 = arith.constant 1.000000e+00 : f32
    %add3A_46 = vector.broadcast %add3A_45 : f32 to vector<256x3072xf32>
    %add3A_47 = arith.addf %add3A_46, %erf3A_44 : vector<256x3072xf32>
    %mul3A_48 = arith.mulf %mul3A_40, %add3A_47 : vector<256x3072xf32>
    %get3A_49 = arith.constant 0 : index
    %get3A_50 = arith.constant 0 : index
    %get3A_51 = vector.load %arg4[%get3A_49, %get3A_50] : memref<3072x8xbf16, #tpu.memory_space<vmem>>, vector<3072x8xbf16>
    %convert_element_type3A_52 = arith.truncf %mul3A_48 : vector<256x3072xf32> to vector<256x3072xbf16>
    %dot_general3A_53 = arith.constant dense<0.000000e+00> : vector<256x8xf32>
    %dot_general3A_54 = tpu.matmul %convert_element_type3A_52, %get3A_51, %dot_general3A_53 {dimension_numbers = #tpu.dot_dimension_numbers<[1], [0], [0], [1], [0, 0, 1, 1], [], []>, transpose_lhs_hint = false} : vector<256x3072xbf16>, vector<3072x8xbf16>, vector<256x8xf32> -> vector<256x8xf32>
    %get3A_55 = arith.constant 0 : index
    %get3A_56 = arith.constant 0 : index
    %get3A_57 = vector.load %arg9[%get3A_55, %get3A_56] : memref<1x8xf32, #tpu.memory_space<vmem>>, vector<1x8xf32>
    %add3A_58 = vector.broadcast %get3A_57 : vector<1x8xf32> to vector<256x8xf32>
    %add3A_59 = arith.addf %dot_general3A_54, %add3A_58 : vector<256x8xf32>
    %reduce_sum3A_60 = arith.constant dense<0.000000e+00> : vector<256xf32>
    %reduce_sum3A_61 = vector.multi_reduction <add>, %add3A_59, %reduce_sum3A_60 [1] : vector<256x8xf32> to vector<256xf32>
    %broadcast_in_dim3A_62 = vector.shape_cast %reduce_sum3A_61 : vector<256xf32> to vector<256x1xf32>
    %div3A_63 = arith.constant 8.000000e+00 : f32
    %div3A_64 = vector.broadcast %div3A_63 : f32 to vector<256x1xf32>
    %div3A_65 = arith.divf %broadcast_in_dim3A_62, %div3A_64 : vector<256x1xf32>
    %get3A_66 = arith.constant 2 : index
    %get3A_67 = arith.constant 0 : index
    %get3A_68 = vector.load %arg3[%get3A_66, %get3A_67] : memref<8x3072xf32, #tpu.memory_space<vmem>>, vector<1x3072xf32>
    %add3A_69 = vector.broadcast %get3A_68 : vector<1x3072xf32> to vector<256x3072xf32>
    %add3A_70 = arith.addf %dot_general3A_5, %add3A_69 : vector<256x3072xf32>
    %mul3A_71 = arith.constant 5.000000e-01 : f32
    %mul3A_72 = vector.broadcast %mul3A_71 : f32 to vector<256x3072xf32>
    %mul3A_73 = arith.mulf %mul3A_72, %add3A_70 : vector<256x3072xf32>
    %mul3A_74 = arith.constant 0.707106769 : f32
    %mul3A_75 = vector.broadcast %mul3A_74 : f32 to vector<256x3072xf32>
    %mul3A_76 = arith.mulf %add3A_70, %mul3A_75 : vector<256x3072xf32>
    %erf3A_77 = math.erf %mul3A_76 : vector<256x3072xf32>
    %add3A_78 = arith.constant 1.000000e+00 : f32
    %add3A_79 = vector.broadcast %add3A_78 : f32 to vector<256x3072xf32>
    %add3A_80 = arith.addf %add3A_79, %erf3A_77 : vector<256x3072xf32>
    %mul3A_81 = arith.mulf %mul3A_73, %add3A_80 : vector<256x3072xf32>
    %get3A_82 = arith.constant 0 : index
    %get3A_83 = arith.constant 0 : index
    %get3A_84 = vector.load %arg4[%get3A_82, %get3A_83] : memref<3072x8xbf16, #tpu.memory_space<vmem>>, vector<3072x8xbf16>
    %convert_element_type3A_85 = arith.truncf %mul3A_81 : vector<256x3072xf32> to vector<256x3072xbf16>
    %dot_general3A_86 = arith.constant dense<0.000000e+00> : vector<256x8xf32>
    %dot_general3A_87 = tpu.matmul %convert_element_type3A_85, %get3A_84, %dot_general3A_86 {dimension_numbers = #tpu.dot_dimension_numbers<[1], [0], [0], [1], [0, 0, 1, 1], [], []>, transpose_lhs_hint = false} : vector<256x3072xbf16>, vector<3072x8xbf16>, vector<256x8xf32> -> vector<256x8xf32>
    %get3A_88 = arith.constant 0 : index
    %get3A_89 = arith.constant 0 : index
    %get3A_90 = vector.load %arg9[%get3A_88, %get3A_89] : memref<1x8xf32, #tpu.memory_space<vmem>>, vector<1x8xf32>
    %add3A_91 = vector.broadcast %get3A_90 : vector<1x8xf32> to vector<256x8xf32>
    %add3A_92 = arith.addf %dot_general3A_87, %add3A_91 : vector<256x8xf32>
    %reduce_sum3A_93 = arith.constant dense<0.000000e+00> : vector<256xf32>
    %reduce_sum3A_94 = vector.multi_reduction <add>, %add3A_92, %reduce_sum3A_93 [1] : vector<256x8xf32> to vector<256xf32>
    %broadcast_in_dim3A_95 = vector.shape_cast %reduce_sum3A_94 : vector<256xf32> to vector<256x1xf32>
    %div3A_96 = arith.constant 8.000000e+00 : f32
    %div3A_97 = vector.broadcast %div3A_96 : f32 to vector<256x1xf32>
    %div3A_98 = arith.divf %broadcast_in_dim3A_95, %div3A_97 : vector<256x1xf32>
    %get3A_99 = arith.constant 3 : index
    %get3A_100 = arith.constant 0 : index
    %get3A_101 = vector.load %arg3[%get3A_99, %get3A_100] : memref<8x3072xf32, #tpu.memory_space<vmem>>, vector<1x3072xf32>
    %add3A_102 = vector.broadcast %get3A_101 : vector<1x3072xf32> to vector<256x3072xf32>
    %add3A_103 = arith.addf %dot_general3A_5, %add3A_102 : vector<256x3072xf32>
    %mul3A_104 = arith.constant 5.000000e-01 : f32
    %mul3A_105 = vector.broadcast %mul3A_104 : f32 to vector<256x3072xf32>
    %mul3A_106 = arith.mulf %mul3A_105, %add3A_103 : vector<256x3072xf32>
    %mul3A_107 = arith.constant 0.707106769 : f32
    %mul3A_108 = vector.broadcast %mul3A_107 : f32 to vector<256x3072xf32>
    %mul3A_109 = arith.mulf %add3A_103, %mul3A_108 : vector<256x3072xf32>
    %erf3A_110 = math.erf %mul3A_109 : vector<256x3072xf32>
    %add3A_111 = arith.constant 1.000000e+00 : f32
    %add3A_112 = vector.broadcast %add3A_111 : f32 to vector<256x3072xf32>
    %add3A_113 = arith.addf %add3A_112, %erf3A_110 : vector<256x3072xf32>
    %mul3A_114 = arith.mulf %mul3A_106, %add3A_113 : vector<256x3072xf32>
    %get3A_115 = arith.constant 0 : index
    %get3A_116 = arith.constant 0 : index
    %get3A_117 = vector.load %arg4[%get3A_115, %get3A_116] : memref<3072x8xbf16, #tpu.memory_space<vmem>>, vector<3072x8xbf16>
    %convert_element_type3A_118 = arith.truncf %mul3A_114 : vector<256x3072xf32> to vector<256x3072xbf16>
    %dot_general3A_119 = arith.constant dense<0.000000e+00> : vector<256x8xf32>
    %dot_general3A_120 = tpu.matmul %convert_element_type3A_118, %get3A_117, %dot_general3A_119 {dimension_numbers = #tpu.dot_dimension_numbers<[1], [0], [0], [1], [0, 0, 1, 1], [], []>, transpose_lhs_hint = false} : vector<256x3072xbf16>, vector<3072x8xbf16>, vector<256x8xf32> -> vector<256x8xf32>
    %get3A_121 = arith.constant 0 : index
    %get3A_122 = arith.constant 0 : index
    %get3A_123 = vector.load %arg9[%get3A_121, %get3A_122] : memref<1x8xf32, #tpu.memory_space<vmem>>, vector<1x8xf32>
    %add3A_124 = vector.broadcast %get3A_123 : vector<1x8xf32> to vector<256x8xf32>
    %add3A_125 = arith.addf %dot_general3A_120, %add3A_124 : vector<256x8xf32>
    %reduce_sum3A_126 = arith.constant dense<0.000000e+00> : vector<256xf32>
    %reduce_sum3A_127 = vector.multi_reduction <add>, %add3A_125, %reduce_sum3A_126 [1] : vector<256x8xf32> to vector<256xf32>
    %broadcast_in_dim3A_128 = vector.shape_cast %reduce_sum3A_127 : vector<256xf32> to vector<256x1xf32>
    %div3A_129 = arith.constant 8.000000e+00 : f32
    %div3A_130 = vector.broadcast %div3A_129 : f32 to vector<256x1xf32>
    %div3A_131 = arith.divf %broadcast_in_dim3A_128, %div3A_130 : vector<256x1xf32>
    %get3A_132 = arith.constant 4 : index
    %get3A_133 = arith.constant 0 : index
    %get3A_134 = vector.load %arg3[%get3A_132, %get3A_133] : memref<8x3072xf32, #tpu.memory_space<vmem>>, vector<1x3072xf32>
    %add3A_135 = vector.broadcast %get3A_134 : vector<1x3072xf32> to vector<256x3072xf32>
    %add3A_136 = arith.addf %dot_general3A_5, %add3A_135 : vector<256x3072xf32>
    %mul3A_137 = arith.constant 5.000000e-01 : f32
    %mul3A_138 = vector.broadcast %mul3A_137 : f32 to vector<256x3072xf32>
    %mul3A_139 = arith.mulf %mul3A_138, %add3A_136 : vector<256x3072xf32>
    %mul3A_140 = arith.constant 0.707106769 : f32
    %mul3A_141 = vector.broadcast %mul3A_140 : f32 to vector<256x3072xf32>
    %mul3A_142 = arith.mulf %add3A_136, %mul3A_141 : vector<256x3072xf32>
    %erf3A_143 = math.erf %mul3A_142 : vector<256x3072xf32>
    %add3A_144 = arith.constant 1.000000e+00 : f32
    %add3A_145 = vector.broadcast %add3A_144 : f32 to vector<256x3072xf32>
    %add3A_146 = arith.addf %add3A_145, %erf3A_143 : vector<256x3072xf32>
    %mul3A_147 = arith.mulf %mul3A_139, %add3A_146 : vector<256x3072xf32>
    %get3A_148 = arith.constant 0 : index
    %get3A_149 = arith.constant 0 : index
    %get3A_150 = vector.load %arg4[%get3A_148, %get3A_149] : memref<3072x8xbf16, #tpu.memory_space<vmem>>, vector<3072x8xbf16>
    %convert_element_type3A_151 = arith.truncf %mul3A_147 : vector<256x3072xf32> to vector<256x3072xbf16>
    %dot_general3A_152 = arith.constant dense<0.000000e+00> : vector<256x8xf32>
    %dot_general3A_153 = tpu.matmul %convert_element_type3A_151, %get3A_150, %dot_general3A_152 {dimension_numbers = #tpu.dot_dimension_numbers<[1], [0], [0], [1], [0, 0, 1, 1], [], []>, transpose_lhs_hint = false} : vector<256x3072xbf16>, vector<3072x8xbf16>, vector<256x8xf32> -> vector<256x8xf32>
    %get3A_154 = arith.constant 0 : index
    %get3A_155 = arith.constant 0 : index
    %get3A_156 = vector.load %arg9[%get3A_154, %get3A_155] : memref<1x8xf32, #tpu.memory_space<vmem>>, vector<1x8xf32>
    %add3A_157 = vector.broadcast %get3A_156 : vector<1x8xf32> to vector<256x8xf32>
    %add3A_158 = arith.addf %dot_general3A_153, %add3A_157 : vector<256x8xf32>
    %reduce_sum3A_159 = arith.constant dense<0.000000e+00> : vector<256xf32>
    %reduce_sum3A_160 = vector.multi_reduction <add>, %add3A_158, %reduce_sum3A_159 [1] : vector<256x8xf32> to vector<256xf32>
    %broadcast_in_dim3A_161 = vector.shape_cast %reduce_sum3A_160 : vector<256xf32> to vector<256x1xf32>
    %div3A_162 = arith.constant 8.000000e+00 : f32
    %div3A_163 = vector.broadcast %div3A_162 : f32 to vector<256x1xf32>
    %div3A_164 = arith.divf %broadcast_in_dim3A_161, %div3A_163 : vector<256x1xf32>
    %get3A_165 = arith.constant 5 : index
    %get3A_166 = arith.constant 0 : index
    %get3A_167 = vector.load %arg3[%get3A_165, %get3A_166] : memref<8x3072xf32, #tpu.memory_space<vmem>>, vector<1x3072xf32>
    %add3A_168 = vector.broadcast %get3A_167 : vector<1x3072xf32> to vector<256x3072xf32>
    %add3A_169 = arith.addf %dot_general3A_5, %add3A_168 : vector<256x3072xf32>
    %mul3A_170 = arith.constant 5.000000e-01 : f32
    %mul3A_171 = vector.broadcast %mul3A_170 : f32 to vector<256x3072xf32>
    %mul3A_172 = arith.mulf %mul3A_171, %add3A_169 : vector<256x3072xf32>
    %mul3A_173 = arith.constant 0.707106769 : f32
    %mul3A_174 = vector.broadcast %mul3A_173 : f32 to vector<256x3072xf32>
    %mul3A_175 = arith.mulf %add3A_169, %mul3A_174 : vector<256x3072xf32>
    %erf3A_176 = math.erf %mul3A_175 : vector<256x3072xf32>
    %add3A_177 = arith.constant 1.000000e+00 : f32
    %add3A_178 = vector.broadcast %add3A_177 : f32 to vector<256x3072xf32>
    %add3A_179 = arith.addf %add3A_178, %erf3A_176 : vector<256x3072xf32>
    %mul3A_180 = arith.mulf %mul3A_172, %add3A_179 : vector<256x3072xf32>
    %get3A_181 = arith.constant 0 : index
    %get3A_182 = arith.constant 0 : index
    %get3A_183 = vector.load %arg4[%get3A_181, %get3A_182] : memref<3072x8xbf16, #tpu.memory_space<vmem>>, vector<3072x8xbf16>
    %convert_element_type3A_184 = arith.truncf %mul3A_180 : vector<256x3072xf32> to vector<256x3072xbf16>
    %dot_general3A_185 = arith.constant dense<0.000000e+00> : vector<256x8xf32>
    %dot_general3A_186 = tpu.matmul %convert_element_type3A_184, %get3A_183, %dot_general3A_185 {dimension_numbers = #tpu.dot_dimension_numbers<[1], [0], [0], [1], [0, 0, 1, 1], [], []>, transpose_lhs_hint = false} : vector<256x3072xbf16>, vector<3072x8xbf16>, vector<256x8xf32> -> vector<256x8xf32>
    %get3A_187 = arith.constant 0 : index
    %get3A_188 = arith.constant 0 : index
    %get3A_189 = vector.load %arg9[%get3A_187, %get3A_188] : memref<1x8xf32, #tpu.memory_space<vmem>>, vector<1x8xf32>
    %add3A_190 = vector.broadcast %get3A_189 : vector<1x8xf32> to vector<256x8xf32>
    %add3A_191 = arith.addf %dot_general3A_186, %add3A_190 : vector<256x8xf32>
    %reduce_sum3A_192 = arith.constant dense<0.000000e+00> : vector<256xf32>
    %reduce_sum3A_193 = vector.multi_reduction <add>, %add3A_191, %reduce_sum3A_192 [1] : vector<256x8xf32> to vector<256xf32>
    %broadcast_in_dim3A_194 = vector.shape_cast %reduce_sum3A_193 : vector<256xf32> to vector<256x1xf32>
    %div3A_195 = arith.constant 8.000000e+00 : f32
    %div3A_196 = vector.broadcast %div3A_195 : f32 to vector<256x1xf32>
    %div3A_197 = arith.divf %broadcast_in_dim3A_194, %div3A_196 : vector<256x1xf32>
    %get3A_198 = arith.constant 6 : index
    %get3A_199 = arith.constant 0 : index
    %get3A_200 = vector.load %arg3[%get3A_198, %get3A_199] : memref<8x3072xf32, #tpu.memory_space<vmem>>, vector<1x3072xf32>
    %add3A_201 = vector.broadcast %get3A_200 : vector<1x3072xf32> to vector<256x3072xf32>
    %add3A_202 = arith.addf %dot_general3A_5, %add3A_201 : vector<256x3072xf32>
    %mul3A_203 = arith.constant 5.000000e-01 : f32
    %mul3A_204 = vector.broadcast %mul3A_203 : f32 to vector<256x3072xf32>
    %mul3A_205 = arith.mulf %mul3A_204, %add3A_202 : vector<256x3072xf32>
    %mul3A_206 = arith.constant 0.707106769 : f32
    %mul3A_207 = vector.broadcast %mul3A_206 : f32 to vector<256x3072xf32>
    %mul3A_208 = arith.mulf %add3A_202, %mul3A_207 : vector<256x3072xf32>
    %erf3A_209 = math.erf %mul3A_208 : vector<256x3072xf32>
    %add3A_210 = arith.constant 1.000000e+00 : f32
    %add3A_211 = vector.broadcast %add3A_210 : f32 to vector<256x3072xf32>
    %add3A_212 = arith.addf %add3A_211, %erf3A_209 : vector<256x3072xf32>
    %mul3A_213 = arith.mulf %mul3A_205, %add3A_212 : vector<256x3072xf32>
    %get3A_214 = arith.constant 0 : index
    %get3A_215 = arith.constant 0 : index
    %get3A_216 = vector.load %arg4[%get3A_214, %get3A_215] : memref<3072x8xbf16, #tpu.memory_space<vmem>>, vector<3072x8xbf16>
    %convert_element_type3A_217 = arith.truncf %mul3A_213 : vector<256x3072xf32> to vector<256x3072xbf16>
    %dot_general3A_218 = arith.constant dense<0.000000e+00> : vector<256x8xf32>
    %dot_general3A_219 = tpu.matmul %convert_element_type3A_217, %get3A_216, %dot_general3A_218 {dimension_numbers = #tpu.dot_dimension_numbers<[1], [0], [0], [1], [0, 0, 1, 1], [], []>, transpose_lhs_hint = false} : vector<256x3072xbf16>, vector<3072x8xbf16>, vector<256x8xf32> -> vector<256x8xf32>
    %get3A_220 = arith.constant 0 : index
    %get3A_221 = arith.constant 0 : index
    %get3A_222 = vector.load %arg9[%get3A_220, %get3A_221] : memref<1x8xf32, #tpu.memory_space<vmem>>, vector<1x8xf32>
    %add3A_223 = vector.broadcast %get3A_222 : vector<1x8xf32> to vector<256x8xf32>
    %add3A_224 = arith.addf %dot_general3A_219, %add3A_223 : vector<256x8xf32>
    %reduce_sum3A_225 = arith.constant dense<0.000000e+00> : vector<256xf32>
    %reduce_sum3A_226 = vector.multi_reduction <add>, %add3A_224, %reduce_sum3A_225 [1] : vector<256x8xf32> to vector<256xf32>
    %broadcast_in_dim3A_227 = vector.shape_cast %reduce_sum3A_226 : vector<256xf32> to vector<256x1xf32>
    %div3A_228 = arith.constant 8.000000e+00 : f32
    %div3A_229 = vector.broadcast %div3A_228 : f32 to vector<256x1xf32>
    %div3A_230 = arith.divf %broadcast_in_dim3A_227, %div3A_229 : vector<256x1xf32>
    %get3A_231 = arith.constant 7 : index
    %get3A_232 = arith.constant 0 : index
    %get3A_233 = vector.load %arg3[%get3A_231, %get3A_232] : memref<8x3072xf32, #tpu.memory_space<vmem>>, vector<1x3072xf32>
    %add3A_234 = vector.broadcast %get3A_233 : vector<1x3072xf32> to vector<256x3072xf32>
    %add3A_235 = arith.addf %dot_general3A_5, %add3A_234 : vector<256x3072xf32>
    %mul3A_236 = arith.constant 5.000000e-01 : f32
    %mul3A_237 = vector.broadcast %mul3A_236 : f32 to vector<256x3072xf32>
    %mul3A_238 = arith.mulf %mul3A_237, %add3A_235 : vector<256x3072xf32>
    %mul3A_239 = arith.constant 0.707106769 : f32
    %mul3A_240 = vector.broadcast %mul3A_239 : f32 to vector<256x3072xf32>
    %mul3A_241 = arith.mulf %add3A_235, %mul3A_240 : vector<256x3072xf32>
    %erf3A_242 = math.erf %mul3A_241 : vector<256x3072xf32>
    %add3A_243 = arith.constant 1.000000e+00 : f32
    %add3A_244 = vector.broadcast %add3A_243 : f32 to vector<256x3072xf32>
    %add3A_245 = arith.addf %add3A_244, %erf3A_242 : vector<256x3072xf32>
    %mul3A_246 = arith.mulf %mul3A_238, %add3A_245 : vector<256x3072xf32>
    %get3A_247 = arith.constant 0 : index
    %get3A_248 = arith.constant 0 : index
    %get3A_249 = vector.load %arg4[%get3A_247, %get3A_248] : memref<3072x8xbf16, #tpu.memory_space<vmem>>, vector<3072x8xbf16>
    %convert_element_type3A_250 = arith.truncf %mul3A_246 : vector<256x3072xf32> to vector<256x3072xbf16>
    %dot_general3A_251 = arith.constant dense<0.000000e+00> : vector<256x8xf32>
    %dot_general3A_252 = tpu.matmul %convert_element_type3A_250, %get3A_249, %dot_general3A_251 {dimension_numbers = #tpu.dot_dimension_numbers<[1], [0], [0], [1], [0, 0, 1, 1], [], []>, transpose_lhs_hint = false} : vector<256x3072xbf16>, vector<3072x8xbf16>, vector<256x8xf32> -> vector<256x8xf32>
    %get3A_253 = arith.constant 0 : index
    %get3A_254 = arith.constant 0 : index
    %get3A_255 = vector.load %arg9[%get3A_253, %get3A_254] : memref<1x8xf32, #tpu.memory_space<vmem>>, vector<1x8xf32>
    %add3A_256 = vector.broadcast %get3A_255 : vector<1x8xf32> to vector<256x8xf32>
    %add3A_257 = arith.addf %dot_general3A_252, %add3A_256 : vector<256x8xf32>
    %reduce_sum3A_258 = arith.constant dense<0.000000e+00> : vector<256xf32>
    %reduce_sum3A_259 = vector.multi_reduction <add>, %add3A_257, %reduce_sum3A_258 [1] : vector<256x8xf32> to vector<256xf32>
    %broadcast_in_dim3A_260 = vector.shape_cast %reduce_sum3A_259 : vector<256xf32> to vector<256x1xf32>
    %div3A_261 = arith.constant 8.000000e+00 : f32
    %div3A_262 = vector.broadcast %div3A_261 : f32 to vector<256x1xf32>
    %div3A_263 = arith.divf %broadcast_in_dim3A_260, %div3A_262 : vector<256x1xf32>
    %concatenate3A = tpu.concatenate %div3A_32, %div3A_65, %div3A_98, %div3A_131, %div3A_164, %div3A_197, %div3A_230, %div3A_263 in 1 : vector<256x1xf32>, vector<256x1xf32>, vector<256x1xf32>, vector<256x1xf32>, vector<256x1xf32>, vector<256x1xf32>, vector<256x1xf32>, vector<256x1xf32> -> vector<256x8xf32>
    %get3A_264 = arith.constant 0 : index
    %get3A_265 = arith.constant 0 : index
    %get3A_266 = vector.load %arg5[%get3A_264, %get3A_265] : memref<768x16xbf16, #tpu.memory_space<vmem>>, vector<768x16xbf16>
    %convert_element_type3A_267 = arith.truncf %get3A_1 : vector<256x768xf32> to vector<256x768xbf16>
    %dot_general3A_268 = arith.constant dense<0.000000e+00> : vector<256x16xf32>
    %dot_general3A_269 = tpu.matmul %convert_element_type3A_267, %get3A_266, %dot_general3A_268 {dimension_numbers = #tpu.dot_dimension_numbers<[1], [0], [0], [1], [0, 0, 1, 1], [], []>, transpose_lhs_hint = false} : vector<256x768xbf16>, vector<768x16xbf16>, vector<256x16xf32> -> vector<256x16xf32>
    %get3A_270 = arith.constant 0 : index
    %get3A_271 = arith.constant 0 : index
    %get3A_272 = vector.load %arg6[%get3A_270, %get3A_271] : memref<1x16xf32, #tpu.memory_space<vmem>>, vector<1x16xf32>
    %add3A_273 = vector.broadcast %get3A_272 : vector<1x16xf32> to vector<256x16xf32>
    %add3A_274 = arith.addf %dot_general3A_269, %add3A_273 : vector<256x16xf32>
    %mul3A_275 = arith.constant 5.000000e-01 : f32
    %mul3A_276 = vector.broadcast %mul3A_275 : f32 to vector<256x16xf32>
    %mul3A_277 = arith.mulf %mul3A_276, %add3A_274 : vector<256x16xf32>
    %mul3A_278 = arith.constant 0.707106769 : f32
    %mul3A_279 = vector.broadcast %mul3A_278 : f32 to vector<256x16xf32>
    %mul3A_280 = arith.mulf %add3A_274, %mul3A_279 : vector<256x16xf32>
    %erf3A_281 = math.erf %mul3A_280 : vector<256x16xf32>
    %add3A_282 = arith.constant 1.000000e+00 : f32
    %add3A_283 = vector.broadcast %add3A_282 : f32 to vector<256x16xf32>
    %add3A_284 = arith.addf %add3A_283, %erf3A_281 : vector<256x16xf32>
    %mul3A_285 = arith.mulf %mul3A_277, %add3A_284 : vector<256x16xf32>
    %get3A_286 = arith.constant 0 : index
    %get3A_287 = arith.constant 0 : index
    %get3A_288 = vector.load %arg7[%get3A_286, %get3A_287] : memref<16x8xbf16, #tpu.memory_space<vmem>>, vector<16x8xbf16>
    %convert_element_type3A_289 = arith.truncf %mul3A_285 : vector<256x16xf32> to vector<256x16xbf16>
    %dot_general3A_290 = arith.constant dense<0.000000e+00> : vector<256x8xf32>
    %dot_general3A_291 = tpu.matmul %convert_element_type3A_289, %get3A_288, %dot_general3A_290 {dimension_numbers = #tpu.dot_dimension_numbers<[1], [0], [0], [1], [0, 0, 1, 1], [], []>, transpose_lhs_hint = false} : vector<256x16xbf16>, vector<16x8xbf16>, vector<256x8xf32> -> vector<256x8xf32>
    %get3A_292 = arith.constant 0 : index
    %get3A_293 = arith.constant 0 : index
    %get3A_294 = vector.load %arg8[%get3A_292, %get3A_293] : memref<1x8xf32, #tpu.memory_space<vmem>>, vector<1x8xf32>
    %add3A_295 = vector.broadcast %get3A_294 : vector<1x8xf32> to vector<256x8xf32>
    %add3A_296 = arith.addf %dot_general3A_291, %add3A_295 : vector<256x8xf32>
    %max3A = arith.constant 0.000000e+00 : f32
    %max3A_297 = vector.broadcast %max3A : f32 to vector<256x8xf32>
    %max3A_298 = arith.maximumf %add3A_296, %max3A_297 : vector<256x8xf32>
    %abs3A = math.absf %add3A_296 : vector<256x8xf32>
    %neg3A = arith.constant 0.000000e+00 : f32
    %neg3A_299 = vector.broadcast %neg3A : f32 to vector<256x8xf32>
    %neg3A_300 = arith.subf %neg3A_299, %abs3A : vector<256x8xf32>
    %exp3A = math.exp %neg3A_300 : vector<256x8xf32>
    %add3A_301 = arith.constant 1.000000e+00 : f32
    %add3A_302 = vector.broadcast %add3A_301 : f32 to vector<256x8xf32>
    %add3A_303 = arith.addf %add3A_302, %exp3A : vector<256x8xf32>
    %log3A = math.log %add3A_303 : vector<256x8xf32>
    %add3A_304 = arith.addf %max3A_298, %log3A : vector<256x8xf32>
    %max3A_305 = arith.constant 0.000000e+00 : f32
    %max3A_306 = vector.broadcast %max3A_305 : f32 to vector<256x8xf32>
    %max3A_307 = arith.maximumf %add3A_304, %max3A_306 : vector<256x8xf32>
    %abs3A_308 = math.absf %add3A_304 : vector<256x8xf32>
    %neg3A_309 = arith.constant 0.000000e+00 : f32
    %neg3A_310 = vector.broadcast %neg3A_309 : f32 to vector<256x8xf32>
    %neg3A_311 = arith.subf %neg3A_310, %abs3A_308 : vector<256x8xf32>
    %exp3A_312 = math.exp %neg3A_311 : vector<256x8xf32>
    %add3A_313 = arith.constant 1.000000e+00 : f32
    %add3A_314 = vector.broadcast %add3A_313 : f32 to vector<256x8xf32>
    %add3A_315 = arith.addf %add3A_314, %exp3A_312 : vector<256x8xf32>
    %log3A_316 = math.log %add3A_315 : vector<256x8xf32>
    %add3A_317 = arith.addf %max3A_307, %log3A_316 : vector<256x8xf32>
    %iota3A = tpu.iota {dimensions = array<i32: 1>} : vector<1x8xi32>
    %broadcast_in_dim3A_318 = arith.constant false
    %broadcast_in_dim3A_319 = vector.broadcast %broadcast_in_dim3A_318 : i1 to vector<1x8xi1>
    %eq3A = arith.constant 1 : i32
    %eq3A_320 = vector.broadcast %eq3A : i32 to vector<1x8xi32>
    %eq3A_321 = arith.cmpi eq, %iota3A, %eq3A_320 : vector<1x8xi32>
    %or3A = arith.ori %broadcast_in_dim3A_319, %eq3A_321 : vector<1x8xi1>
    %eq3A_322 = arith.constant 4 : i32
    %eq3A_323 = vector.broadcast %eq3A_322 : i32 to vector<1x8xi32>
    %eq3A_324 = arith.cmpi eq, %iota3A, %eq3A_323 : vector<1x8xi32>
    %or3A_325 = arith.ori %or3A, %eq3A_324 : vector<1x8xi1>
    %eq3A_326 = arith.constant 7 : i32
    %eq3A_327 = vector.broadcast %eq3A_326 : i32 to vector<1x8xi32>
    %eq3A_328 = arith.cmpi eq, %iota3A, %eq3A_327 : vector<1x8xi32>
    %or3A_329 = arith.ori %or3A_325, %eq3A_328 : vector<1x8xi1>
    %jit3A = arith.constant 3.000000e-01 : f32
    %jit3A_330 = arith.constant 0.000000e+00 : f32
    %broadcast_in_dim3A_331 = vector.broadcast %jit3A : f32 to vector<1x8xf32>
    %broadcast_in_dim3A_332 = vector.broadcast %jit3A_330 : f32 to vector<1x8xf32>
    %select_n3A = arith.select %or3A_329, %broadcast_in_dim3A_331, %broadcast_in_dim3A_332 : vector<1x8xi1>, vector<1x8xf32>
    %get3A_333 = arith.constant 0 : index
    %get3A_334 = arith.constant 0 : index
    %get3A_335 = memref.load %arg11[%get3A_333, %get3A_334] : memref<1x1xf32, #tpu.memory_space<smem>>
    %get3A_336 = arith.constant 0 : index
    %get3A_337 = arith.constant 0 : index
    %get3A_338 = vector.load %arg10[%get3A_336, %get3A_337] : memref<256x8xf32, #tpu.memory_space<vmem>>, vector<256x8xf32>
    %mul3A_339 = arith.mulf %get3A_338, %add3A_317 : vector<256x8xf32>
    %mul3A_340 = vector.broadcast %get3A_335 : f32 to vector<256x8xf32>
    %mul3A_341 = arith.mulf %mul3A_340, %mul3A_339 : vector<256x8xf32>
    %add3A_342 = arith.addf %concatenate3A, %mul3A_341 : vector<256x8xf32>
    %add3A_343 = vector.broadcast %select_n3A : vector<1x8xf32> to vector<256x8xf32>
    %add3A_344 = arith.addf %add3A_342, %add3A_343 : vector<256x8xf32>
    %swap3A = arith.constant 0 : index
    %swap3A_345 = arith.constant 0 : index
    %swap3A_346 = vector.load %arg12[%swap3A, %swap3A_345] : memref<256x8xf32, #tpu.memory_space<vmem>>, vector<256x8xf32>
    tpu.vector_store %arg12[%swap3A, %swap3A_345], %add3A_344 {strides = array<i32>} : memref<256x8xf32, #tpu.memory_space<vmem>>, vector<256x8xf32>,
    return
  }
  func.func @transform_0(%arg0: i32) -> (i32, i32) {
    %c0_i32 = arith.constant 0 : i32
    %c0_i32_0 = arith.constant 0 : i32
    return %arg0, %c0_i32 : i32, i32
  }
  func.func @transform_1(%arg0: i32) -> (i32, i32) {
    %c0_i32 = arith.constant 0 : i32
    %c0_i32_0 = arith.constant 0 : i32
    %c0_i32_1 = arith.constant 0 : i32
    return %c0_i32, %c0_i32_0 : i32, i32
  }
  func.func @transform_2(%arg0: i32) -> (i32, i32) {
    %c0_i32 = arith.constant 0 : i32
    %c0_i32_0 = arith.constant 0 : i32
    %c0_i32_1 = arith.constant 0 : i32
    return %c0_i32, %c0_i32_0 : i32, i32
  }
  func.func @transform_3(%arg0: i32) -> (i32, i32) {
    %c0_i32 = arith.constant 0 : i32
    %c0_i32_0 = arith.constant 0 : i32
    %c0_i32_1 = arith.constant 0 : i32
    return %c0_i32, %c0_i32_0 : i32, i32
  }
  func.func @transform_4(%arg0: i32) -> (i32, i32) {
    %c0_i32 = arith.constant 0 : i32
    %c0_i32_0 = arith.constant 0 : i32
    %c0_i32_1 = arith.constant 0 : i32
    return %c0_i32, %c0_i32_0 : i32, i32
  }
  func.func @transform_5(%arg0: i32) -> (i32, i32) {
    %c0_i32 = arith.constant 0 : i32
    %c0_i32_0 = arith.constant 0 : i32
    %c0_i32_1 = arith.constant 0 : i32
    return %c0_i32, %c0_i32_0 : i32, i32
  }
  func.func @transform_6(%arg0: i32) -> (i32, i32) {
    %c0_i32 = arith.constant 0 : i32
    %c0_i32_0 = arith.constant 0 : i32
    %c0_i32_1 = arith.constant 0 : i32
    return %c0_i32, %c0_i32_0 : i32, i32
  }
  func.func @transform_7(%arg0: i32) -> (i32, i32) {
    %c0_i32 = arith.constant 0 : i32
    %c0_i32_0 = arith.constant 0 : i32
    %c0_i32_1 = arith.constant 0 : i32
    return %c0_i32, %c0_i32_0 : i32, i32
  }
  func.func @transform_8(%arg0: i32) -> (i32, i32) {
    %c0_i32 = arith.constant 0 : i32
    %c0_i32_0 = arith.constant 0 : i32
    %c0_i32_1 = arith.constant 0 : i32
    return %c0_i32, %c0_i32_0 : i32, i32
  }
  func.func @transform_9(%arg0: i32) -> (i32, i32) {
    %c0_i32 = arith.constant 0 : i32
    %c0_i32_0 = arith.constant 0 : i32
    return %arg0, %c0_i32 : i32, i32
  }
  func.func @transform_10(%arg0: i32) -> (i32, i32) {
    %c0_i32 = arith.constant 0 : i32
    %c0_i32_0 = arith.constant 0 : i32
    %c0_i32_1 = arith.constant 0 : i32
    return %c0_i32, %c0_i32_0 : i32, i32
  }
  func.func @transform_11(%arg0: i32) -> (i32, i32) {
    %c0_i32 = arith.constant 0 : i32
    %c0_i32_0 = arith.constant 0 : i32
    return %arg0, %c0_i32 : i32, i32
  }
}

</mosaic_0001>

<sc_bundles>
// kernel: kernel.5.cloned.1.call-start
scs
__scs_entry_jumppad:
0x0: {  	(pc) =	sbr.rel $0x88, $3  }
0x1: {  	(tag) =	ssettag $0x0;
	lr =	simm.s32 $0x1  }
0x2: {  	[smem:$0x3F96] =	sst lr;
	_ =	strace $0xD0000000  }
0x3: {  	_ = 	snop  }
0x4: {  	_ = 	snop  }
0x5: {  	_ = 	snop  }
0x6: {  	_ = 	snop  }
0x7: {  	_ = 	snop  }
__scs_overlays_trampoline_lowered:
0x8: {  	[smem:$0x3FA5] =	sst s0  }
0x9: {  	[smem:$0x3FA6] =	sst s1  }
0xa: {  	[smem:$0x3FA7] =	sst s2  }
0xb: {  	[smem:$0x3FA8] =	sst s3  }
0xc: {  	[smem:$0x3FA9] =	sst s4  }
0xd: {  	[smem:$0x3FAA] =	sst s5  }
0xe: {  	[smem:$0x3FAB] =	sst s6  }
0xf: {  	[smem:$0x3FAC] =	sst s7  }
0x10: {  	[smem:$0x3FAD] =	sst s8  }
0x11: {  	[smem:$0x3FAE] =	sst s9;
	s0 =	simm.s32 @!p0 $0x0  }
0x12: {  	s1 =	sld [smem:$0x3F94];
	s0 =	simm.s32 @p0 $0x1  }
0x13: {  	[smem:$0x3FAF] =	sst s0;
	s0 =	simm.s32 @!p1 $0x0  }
0x14: {  	s2 =	sld [smem:$0x3F93];
	s0 =	simm.s32 @p1 $0x1  }
0x15: {  	[smem:$0x3FB0] =	sst s0;
	s0 =	simm.s32 @!p2 $0x0  }
0x16: {  	s3 =	sld [smem:$0x3FDB];
	s0 =	simm.s32 @p2 $0x1  }
0x17: {  	s4 =	simm.s32 $0x1BF5;
	[smem:$0x3FB2] =	sst s0  }
0x18: {  	s0 =	sld [smem:$0x3F95];
	_ =	swait.ge [sflag:s4], $0x0  }
0x19: {  	s7 =	sld [smem:$0x3F96]  }
0x1a: {  	s8 =	sadd.s32 $0xFFFFE003, lr  }
0x1b: {  	s9 =	sadd.s32 $0xFFFFFEF7, lr;
	s5 =	simm.s32 $0xFFFFFFFF;
	p2 =	slt.u32 s8, $0xFFFFF086  }
0x1c: {  	p1 =	slt.u32 s9, $0xF7A;
	s5 =	simm.s32 @!p2 $0x0  }
0x1d: {  	s5 =	simm.s32 @p1 $0x1;
	p0 =	seq.s32 s7, s2  }
0x1e: {  	s7 =	smul.u32 @!p0 $0xF7A, s2;
	p2 =	seq.s32 @!p0 s5, $0x0  }
0x1f: {  	s9 =	smul.u32 $0xF7A, s1;
	s8 =	simm.s32 @!p0 $0x1BF5;
	p2 =	por !p2, p0  }
0x20: {  	[sflag:s8] =	ssyncset.s32 @!p0 $0xFFFFF086;
	s6 =	sadd.s32 @!p0 s3, s7;
	s7 =	simm.s32 @!p0 $0x108  }
0x21: {  	s3 =	sadd.s32 s3, s9;
	s6 =	sadd.s32 @!p0 $0x88, s6;
	s7 =	simm.s32 @p2 $0x1082  }
0x22: {  	[simem:s7], [sflag:s8] =	dma.local @!p0 [hbm:s6], $0xF7A  }
0x23: {  	s9 =	sor.u32 $0xD0000000, s2;
	s6 =	simm.s32 $0x108;
	_ =	swait.ge @!p0 [sflag:s8], $0x0  }
0x24: {  	s3 =	sadd.s32 $0x88, s3;
	s6 =	simm.s32 @!p1 $0x1082;
	[sflag:s4] =	ssyncset.s32 $0xFFFFF086  }
0x25: {  	[simem:s6], [sflag:s4] =	dma.local [hbm:s3], $0xF7A  }
0x26: {  	[smem:$0x3F96] =	sst s1;
	(tag) =	ssettag s2;
	_ =	strace s9  }
0x27: {  	s1 =	sld [smem:$0x3FA6]  }
0x28: {  	s2 =	sld [smem:$0x3FA7]  }
0x29: {  	s4 =	sld [smem:$0x3FA9]  }
0x2a: {  	p0 =	seq.s32 s5, $0x0;
	s5 =	sld [smem:$0x3FAA]  }
0x2b: {  	s6 =	sld [smem:$0x3FAB]  }
0x2c: {  	s7 =	sld [smem:$0x3FAC]  }
0x2d: {  	s3 =	simm.s32 $0x108;
	s8 =	sld [smem:$0x3FAD]  }
0x2e: {  	s3 =	simm.s32 @!p0 $0x1082;
	s9 =	sld [smem:$0x3FAE]  }
0x2f: {  	lr =	sadd.s32 s0, s3;
	s0 =	sld [smem:$0x3FA5]  }
0x30: {  	s3 =	sld [smem:$0x3FA8]  }
0x31: {  	[smem:$0x3FB1] =	sst s10  }
0x32: {  	s10 =	sld [smem:$0x3FAF];
	_ =	sdelay $0x3  }
0x33: {  	p0 =	seq.s32 s10, $0x1;
	s10 =	sld [smem:$0x3FB1];
	_ =	sdelay $0x3  }
0x34: {  	[smem:$0x3FB1] =	sst s10  }
0x35: {  	s10 =	sld [smem:$0x3FB0];
	_ =	sdelay $0x3  }
0x36: {  	p1 =	seq.s32 s10, $0x1;
	s10 =	sld [smem:$0x3FB1];
	_ =	sdelay $0x3  }
0x37: {  	[smem:$0x3FB1] =	sst s10  }
0x38: {  	s10 =	sld [smem:$0x3FB2]  }
0x39: {  	_ = 	snop;
	(pc) =	sbr.ind lr, $3  }
0x3a: {  	_ = 	snop  }
0x3b: {  	_ = 	snop  }
0x3c: {  	p2 =	seq.s32 s10, $0x1;
	s10 =	sld [smem:$0x3FB1]  }
0x3d: {  	_ =	shalt  }
0x3e: {  	_ =	shalt  }
0x3f: {  	_ =	shalt  }
0x40: {  	_ =	shalt  }
0x41: {  	_ =	shalt  }
0x42: {  	_ =	shalt  }
0x43: {  	_ =	shalt  }
0x44: {  	_ =	shalt  }
0x45: {  	_ =	shalt  }
0x46: {  	_ =	shalt  }
0x47: {  	_ =	shalt  }
0x48: {  	_ =	shalt  }
0x49: {  	_ =	shalt  }
0x4a: {  	_ =	shalt  }
0x4b: {  	_ =	shalt  }
0x4c: {  	_ =	shalt  }
0x4d: {  	_ =	shalt  }
0x4e: {  	_ =	shalt  }
0x4f: {  	_ =	shalt  }
0x50: {  	_ =	shalt  }
0x51: {  	_ =	shalt  }
0x52: {  	_ =	shalt  }
0x53: {  	_ =	shalt  }
0x54: {  	_ =	shalt  }
0x55: {  	_ =	shalt  }
0x56: {  	_ =	shalt  }
0x57: {  	_ =	shalt  }
0x58: {  	_ =	shalt  }
0x59: {  	_ =	shalt  }
0x5a: {  	_ =	shalt  }
0x5b: {  	_ =	shalt  }
0x5c: {  	_ =	shalt  }
0x5d: {  	_ =	shalt  }
0x5e: {  	_ =	shalt  }
0x5f: {  	_ =	shalt  }
0x60: {  	_ =	shalt  }
0x61: {  	_ =	shalt  }
0x62: {  	_ =	shalt  }
0x63: {  	_ =	shalt  }
0x64: {  	_ =	shalt  }
0x65: {  	_ =	shalt  }
0x66: {  	_ =	shalt  }
0x67: {  	_ =	shalt  }
0x68: {  	_ =	shalt  }
0x69: {  	_ =	shalt  }
0x6a: {  	_ =	shalt  }
0x6b: {  	_ =	shalt  }
0x6c: {  	_ =	shalt  }
0x6d: {  	_ =	shalt  }
0x6e: {  	_ =	shalt  }
0x6f: {  	_ =	shalt  }
0x70: {  	_ =	shalt  }
0x71: {  	_ =	shalt  }
0x72: {  	_ =	shalt  }
0x73: {  	_ =	shalt  }
0x74: {  	_ =	shalt  }
0x75: {  	_ =	shalt  }
0x76: {  	_ =	shalt  }
0x77: {  	_ =	shalt  }
0x78: {  	_ =	shalt  }
0x79: {  	_ =	shalt  }
0x7a: {  	_ =	shalt  }
0x7b: {  	_ =	shalt  }
0x7c: {  	_ =	shalt  }
0x7d: {  	_ =	shalt  }
0x7e: {  	_ =	shalt  }
0x7f: {  	_ =	shalt  }
0x80: {  	_ =	shalt  }
0x81: {  	_ =	shalt  }
0x82: {  	_ =	shalt  }
0x83: {  	_ =	shalt  }
0x84: {  	_ =	shalt  }
0x85: {  	_ =	shalt  }
0x86: {  	_ =	shalt  }
0x87: {  	_ =	shalt  }
.Lfunc_end0:
.L_simem_size_0:
called_computation_lowered:
.L_overlay_start_0:
0x88: {  	s2 =	sld [smem:$0x3FD9]  }
0x89: {  	s3 =	sld [smem:$0x3FFE];
	_ =	sdelay $0x1  }
0x8a: {  	s1 =	srdreg.scid  }
0x8b: {  	s0 =	sand.u32 $0x1, s1  }
0x8c: {  	s14 =	sshll.u32 s0, $0xA;
	s2 =	sadd.s32 s3, s2  }
0x8d: {  	s2 =	sadd.s32 s2, s14  }
0x8e: {  	[smem:$0x3FBD] =	sst s2  }
0x8f: {  	_ = 	snop  }
0x90: {  	s2 =	sld [smem:$0x3FD0];
	_ =	sdelay $0x2  }
0x91: {  	s15 =	simm.s32 $0xA;
	s4 =	simm.s32 $0x10  }
0x92: {  	[smem:s4], [sflag:s15] =	dma.local [hbm:s2], $0x1  }
0x93: {  	_ =	swait.eq [sflag:s15], $0x1  }
0x94: {  	[sflag:s15] =	ssyncset.done $0x0  }
0x95: {  	s16 =	sld [smem:$0x10];
	[sflag:s15] =	ssyncadd.s32 $0xFFFFFFFF  }
0x96: {  	s17 =	sld [smem:$0x11];
	(tm) =	ssettm $0x1  }
0x97: {  	s18 =	sld [smem:$0x3FFB];
	_ =	sdelay $0x3  }
0x98: {  	_ =	strace s18  }
0x99: {  	s4 =	sld [smem:$0x3FFC];
	_ =	sdelay $0x3  }
0x9a: {  	_ =	strace s4  }
0x9b: {  	s4 =	sld [smem:$0x3FFD];
	_ =	sdelay $0x3  }
0x9c: {  	_ =	strace s4  }
0x9d: {  	_ =	strace $0x8FFFFFFF  }
0x9e: {  	s19 =	sld [smem:$0x3FDB];
	_ =	sdelay $0x1  }
0x9f: {  	s5 =	simm.s32 $_scs_section_size  }
0xa0: {  	s6 =	simm.s32 $_size__tile_overlayer_lowered;
	s7 =	simm.s32 $_tile_overlayer_lowered  }
0xa1: {  	s22 =	simm.s32 $0x1BFF;
	s21 =	sshll.u32 s7, $0x1;
	s4 =	sadd.s32 s5, s19  }
0xa2: {  	s8 =	simm.s32 $0x0;
	s20 =	sshll.u32 s6, $0x1;
	s6 =	sadd.s32 s21, s4  }
0xa3: {  	[timem:s8], [sflag:s22] =	dma.local [hbm:s6], s20  }
0xa4: {  	_ =	swait.ge [sflag:s22], s20  }
0xa5: {  	s5 =	ssub.s32 $0x0, s20;
	[sflag:s22] =	ssyncset.done $0x0  }
0xa6: {  	[sflag:s22] =	ssyncadd.s32 s5;
	_ =	sdelay $0x1  }
0xa7: {  	s23 =	simm.s32 $0x1B8B  }
0xa8: {  	_ =	swait.ge [sflag:s23], $0x1  }
0xa9: {  	[sflag:s23] =	ssyncset.done $0x0  }
0xaa: {  	s25 =	simm.s32 $0x1B8E;
	s24 =	sld [smem:$0x3FFE];
	[sflag:s23] =	ssyncadd.s32 $0xFFFFFFFF  }
0xab: {  	s26 =	simm.s32 $execute0_lowered;
	[smem:$0x3FD2] =	sst s25  }
0xac: {  	s6 =	sshll.u32 s26, $0x1;
	_ =	strace $0x80000046;
	[dreg:$0x1] =	wrdreg $0xFFFFFFFF  }
0xad: {  	s28 =	simm.s32 $_size_execute0_lowered;
	s4 =	sadd.s32 s4, s6;
	[dreg:$0x0] =	wrdreg $0x0  }
0xae: {  	s6 =	sshll.u32 s28, $0x1;
	[dreg:$0x2] =	wrdreg s4  }
0xaf: {  	[dreg:$0x3] =	wrdreg s6  }
0xb0: {  	[dreg:$0x4] =	wrdreg $0xC0  }
0xb1: {  	_ =	task [dreg:s8], $0x5FFFF  }
0xb2: {  	[dreg:$0x1] =	wrdreg $0xFFFFFFFF  }
0xb3: {  	[dreg:$0x0] =	wrdreg $0x60  }
0xb4: {  	[dreg:$0x2] =	wrdreg s16  }
0xb5: {  	[dreg:$0x3] =	wrdreg s24  }
0xb6: {  	[dreg:$0x4] =	wrdreg s17  }
0xb7: {  	[dreg:$0x5] =	wrdreg $0x9  }
0xb8: {  	_ =	task.clear_ibuf [dreg:s8], $0x6FFFF;
	_ =	strace $0x90000046  }
0xb9: {  	s29 =	simm.s32 $0x9;
	_ =	strace $0x80000048  }
0xba: {  	_ =	swait.ge [sflag:s29], $0x1  }
0xbb: {  	[sflag:s29] =	ssyncadd.s32 $0xFFFFFFFF  }
0xbc: {  	_ =	strace $0x90000048  }
0xbd: {  	_ =	sfence  }
0xbe: {  	s30 =	sld [smem:$0x0];
	_ =	sdelay $0x2  }
0xbf: {  	s31 =	sshll.u32 s1, $0xD;
	s1 =	sshrl.u32 s1, $0x2  }
0xc0: {  	s3 =	sand.u32 $0x4000, s31;
	s1 =	sadd.s32 s1, s30  }
0xc1: {  	s0 =	sor.u32 s3, s0;
	s1 =	sshll.u32 s1, $0x11  }
0xc2: {  	s0 =	sor.u32 s1, s0  }
0xc3: {  	s0 =	sadd.s32 $0x8F2B, s0  }
0xc4: {  	[sflag:s0] =	ssyncadd.remote.s32 $0x1  }
0xc5: {  	_ =	sfence.sel $0xFFFF  }
0xc6: {  	[dreg:$0x0] =	wrdreg $0xFFFFFFFF;
	(pc) =	sbr.abs _section_cstart, $3  }
0xc7: {  	[dreg:$0x1] =	wrdreg $0xFFFFFFFF  }
0xc8: {  	_ =	task.clear_ibuf [dreg:s8], $0x2FFFF;
	_ =	strace $0x9FFFFFFF  }
0xc9: {  	(tm) =	ssettm $0x7FFFFFFF  }
tec
execute0_lowered:
.L_overlay_start_1:
0x0: {  	(tag) =	ssettag $0x1  }
0x1: {  	v5 =	vlaneseq.u32  }
0x2: {  	v0 =	vmul.u32 $0x8, v5  }
0x3: {  	v1 =	vimm.f32 $0.0e+00;
	v10 =	vimm.s32 $0x0  }
0x4: {  	v5 =	vmul.u32 $0x2, v5;
	v2 =	vor.u32 $0x1, v0;
	v3 =	vor.u32 $0x2, v0  }
0x5: {  	v4 =	vor.u32 $0x3, v0;
	v6 =	vor.u32 $0x4, v0;
	v7 =	vor.u32 $0x5, v0  }
0x6: {  	v8 =	vor.u32 $0x6, v0;
	v9 =	vor.u32 $0x7, v0;
	v11 =	vor.u32 $0x1, v5  }
0x7: {  	s3 =	rddreg [dreg:$0x0];
	v12 =	vor.u32 $0x80, v0;
	v13 =	vor.u32 $0x81, v0;
	v14 =	vor.u32 $0x82, v0  }
0x8: {  	s4 =	rddreg [dreg:$0x1];
	s1 =	srdreg.scid;
	v15 =	vor.u32 $0x83, v0;
	v16 =	vor.u32 $0x84, v0;
	v17 =	vor.u32 $0x85, v0  }
0x9: {  	s0 =	stileid.u32;
	s5 =	rddreg [dreg:$0x2];
	v18 =	vor.u32 $0x86, v0;
	v19 =	vor.u32 $0x87, v0;
	v20 =	vor.u32 $0x20, v5  }
0xa: {  	s2 =	simm.s32 $0x0;
	s6 =	sand.u32 $0x1, s1;
	s1 =	rddreg [dreg:$0x3];
	v21 =	vor.u32 $0x21, v5;
	v22 =	vor.u32 $0x100, v0;
	v23 =	vor.u32 $0x101, v0  }
0xb: {  	s7 =	sshll.u32 s0, $0x1;
	[smem:$0x7FF] =	sst s2;
	v24 =	vor.u32 $0x102, v0;
	v25 =	vor.u32 $0x103, v0;
	v26 =	vor.u32 $0x104, v0  }
0xc: {  	s7 =	sor.u32 s6, s7;
	s6 =	ssub.s32 $0x2, s6;
	_ =	strace $0x80000047;
	v27 =	vor.u32 $0x105, v0;
	v28 =	vor.u32 $0x106, v0;
	v29 =	vor.u32 $0x107, v0  }
0xd: {  	s8 =	sshll.u32 s7, $0x6;
	s9 =	sshrl.u32 s6, $0x1;
	v30 =	vor.u32 $0x40, v5;
	v31 =	vor.u32 $0x41, v5;
	v32 =	vor.u32 $0x180, v0;
	s7 =	sshll.u32 s7, $0x4  }
0xe: {  	v33 =	vor.u32 $0x181, v0;
	v34 =	vor.u32 $0x182, v0;
	v35 =	vor.u32 $0x183, v0;
	s4 =	sadd.s32 s8, s4;
	s6 =	ssub.s32 s6, s9;
	s3 =	sadd.s32 s3, s8  }
0xf: {  	v36 =	vor.u32 $0x184, v0;
	v37 =	vor.u32 $0x185, v0;
	v38 =	vor.u32 $0x186, v0;
	s5 =	sadd.s32 s5, s7;
	s7 =	simm.s32 $0x1;
	s8 =	simm.s32 $0x200  }
0x10: {  	v39 =	vor.u32 $0x187, v0;
	v40 =	vor.u32 $0x60, v5;
	v41 =	vor.u32 $0x61, v5;
	s9 =	simm.s32 $0x400;
	s4 =	sadd.s32 $0x2400, s4;
	s6 =	smax.u32 s6, $0x1  }
.LBB2_1:
0x11: {  	[tilespmem:s2], [sflag:$0x1] =	stream.linear.gather [hbm4b:s3+s2], $0x200, $0x38;
	[tilespmem:$0x480] =	vst v63  }
0x12: {  	_ =	swait.ge [sflag:s7], $0x200  }
0x13: {  	[sflag:s7] =	ssyncset.done $0x0  }
0x14: {  	[sflag:s7] =	ssyncadd.s32 $0xFFFFFE00  }
0x15: {  	[tilespmem:$0x200] =	vst v1  }
0x16: {  	[tilespmem:$0x210] =	vst v1  }
0x17: {  	[tilespmem:$0x220] =	vst v1  }
0x18: {  	[tilespmem:$0x230] =	vst v1  }
0x19: {  	[tilespmem:$0x240] =	vst v1  }
0x1a: {  	[tilespmem:$0x250] =	vst v1  }
0x1b: {  	[tilespmem:$0x260] =	vst v1  }
0x1c: {  	[tilespmem:$0x270] =	vst v1  }
0x1d: {  	[tilespmem:$0x280] =	vst v1  }
0x1e: {  	[tilespmem:$0x290] =	vst v1  }
0x1f: {  	[tilespmem:$0x2A0] =	vst v1  }
0x20: {  	[tilespmem:$0x2B0] =	vst v1  }
0x21: {  	[tilespmem:$0x2C0] =	vst v1  }
0x22: {  	[tilespmem:$0x2D0] =	vst v1  }
0x23: {  	[tilespmem:$0x2E0] =	vst v1  }
0x24: {  	[tilespmem:$0x2F0] =	vst v1  }
0x25: {  	[tilespmem:$0x300] =	vst v1  }
0x26: {  	[tilespmem:$0x310] =	vst v1  }
0x27: {  	[tilespmem:$0x320] =	vst v1  }
0x28: {  	[tilespmem:$0x330] =	vst v1  }
0x29: {  	[tilespmem:$0x340] =	vst v1  }
0x2a: {  	[tilespmem:$0x350] =	vst v1  }
0x2b: {  	[tilespmem:$0x360] =	vst v1  }
0x2c: {  	[tilespmem:$0x370] =	vst v1  }
0x2d: {  	[tilespmem:$0x380] =	vst v1  }
0x2e: {  	[tilespmem:$0x390] =	vst v1  }
0x2f: {  	[tilespmem:$0x3A0] =	vst v1  }
0x30: {  	[tilespmem:$0x3B0] =	vst v1  }
0x31: {  	[tilespmem:$0x3C0] =	vst v1  }
0x32: {  	[tilespmem:$0x3D0] =	vst v1  }
0x33: {  	[tilespmem:$0x3E0] =	vst v1  }
0x34: {  	[tilespmem:$0x3F0] =	vst v1  }
0x35: {  	v42 =	vld.idx.msk [tilespmem:v0+s2+$0x0], $0xffff  }
0x36: {  	v43 =	vld.idx.msk [tilespmem:v2+s2+$0x0], $0xffff  }
0x37: {  	v44 =	vld.idx.msk [tilespmem:v3+s2+$0x0], $0xffff  }
0x38: {  	v45 =	vld.idx.msk [tilespmem:v4+s2+$0x0], $0xffff  }
0x39: {  	v46 =	vld.idx.msk [tilespmem:v6+s2+$0x0], $0xffff  }
0x3a: {  	v47 =	vld.idx.msk [tilespmem:v7+s2+$0x0], $0xffff  }
0x3b: {  	v48 =	vld.idx.msk [tilespmem:v8+s2+$0x0], $0xffff;
	v49 =	vmax.f32 v42, v43  }
0x3c: {  	v50 =	vld.idx.msk [tilespmem:v9+s2+$0x0], $0xffff;
	v49 =	vmax.f32 v49, v44  }
0x3d: {  	v49 =	vmax.f32 v49, v45  }
0x3e: {  	v49 =	vmax.f32 v49, v46  }
0x3f: {  	v49 =	vmax.f32 v49, v47  }
0x40: {  	v49 =	vmax.f32 v49, v48  }
0x41: {  	v49 =	vmax.f32 v49, v50  }
0x42: {  	vm0 =	veq.f32 v50, v49  }
0x43: {  	vm15 =	veq.f32 v48, v49;
	v51 =	vsel vm0, $0x7, v10  }
0x44: {  	vm4 =	veq.f32 v47, v49;
	v51 =	vsel vm15, $0x6, v51  }
0x45: {  	vm5 =	veq.f32 v46, v49;
	v51 =	vsel vm4, $0x5, v51  }
0x46: {  	vm6 =	veq.f32 v45, v49;
	v51 =	vsel vm5, $0x4, v51  }
0x47: {  	vm7 =	veq.f32 v44, v49;
	v51 =	vsel vm6, $0x3, v51  }
0x48: {  	vm8 =	veq.f32 v43, v49;
	v51 =	vsel vm7, $0x2, v51  }
0x49: {  	vm1 =	vne.f32 v42, v49;
	v51 =	vsel vm8, $0x1, v51  }
0x4a: {  	v51 =	vnsel vm1, $0x0, v51  }
0x4b: {  	vm0 =	vmand vm1, vm8;
	vm2 =	veq.s32 v51, $0x0  }
0x4c: {  	v43 =	vsel vm0, $0xFF800000, v43;
	vm9 =	veq.s32 v51, $0x2;
	v42 =	vsel vm2, $0xFF800000, v42  }
0x4d: {  	vm10 =	veq.s32 v51, $0x3;
	v44 =	vsel vm9, $0xFF800000, v44;
	v52 =	vmax.f32 v42, v43  }
0x4e: {  	vm11 =	veq.s32 v51, $0x4;
	v45 =	vsel vm10, $0xFF800000, v45;
	v52 =	vmax.f32 v52, v44  }
0x4f: {  	vm12 =	veq.s32 v51, $0x5;
	v46 =	vsel vm11, $0xFF800000, v46;
	v52 =	vmax.f32 v52, v45  }
0x50: {  	vm13 =	veq.s32 v51, $0x6;
	v47 =	vsel vm12, $0xFF800000, v47;
	v52 =	vmax.f32 v52, v46  }
0x51: {  	vm14 =	veq.s32 v51, $0x7;
	v48 =	vsel vm13, $0xFF800000, v48;
	v52 =	vmax.f32 v52, v47  }
0x52: {  	v50 =	vsel vm14, $0xFF800000, v50;
	v52 =	vmax.f32 v52, v48  }
0x53: {  	v52 =	vmax.f32 v52, v50  }
0x54: {  	v49 =	vsub.f32 v52, v49;
	_ =	sdelay $0x1  }
0x55: {  	v49 =	vmul.f32 $1.442695020e+00, v49;
	_ =	sdelay $0x1  }
0x56: {  	(erf) = vpow2.f32 v49;
	_ =	sdelay $0x8  }
0x57: {  	v49 =	vpop (erf)  }
0x58: {  	vm0 =	veq.f32 v50, v52;
	v62 =	vadd.f32 $1.000000000e+00, v49  }
0x59: {  	vm15 =	veq.f32 v48, v52;
	v63 =	vsel vm0, $0x7, v10  }
0x5a: {  	vm4 =	veq.f32 v47, v52;
	v48 =	vsel vm15, $0x6, v63;
	(erf) = vrcp.f32 v62  }
0x5b: {  	vm5 =	veq.f32 v46, v52;
	v47 =	vsel vm4, $0x5, v48  }
0x5c: {  	vm6 =	veq.f32 v45, v52;
	v46 =	vsel vm5, $0x4, v47  }
0x5d: {  	vm7 =	veq.f32 v44, v52;
	v45 =	vsel vm6, $0x3, v46  }
0x5e: {  	vm8 =	veq.f32 v43, v52;
	v44 =	vsel vm7, $0x2, v45  }
0x5f: {  	vm9 =	veq.f32 v42, v52;
	v43 =	vsel vm8, $0x1, v44  }
0x60: {  	v53 =	vadd.s32 v0, v51;
	v42 =	vsel vm9, $0x0, v43  }
0x61: {  	v54 =	vadd.s32 v0, v42;
	_ =	sdelay $0x1  }
0x62: {  	v55 =	vpop (erf)  }
0x63: {  	v56 =	vmul.f32 v55, v49  }
0x64: {  	[tilespmem:v53+s8+$0x0] =	vst.idx.msk $0xffff, v55  }
0x65: {  	[tilespmem:v54+s8+$0x0] =	vst.idx.msk $0xffff, v56  }
0x66: {  	[tilespmem:v5+s9+$0x0] =	vst.idx.msk $0xffff, v51  }
0x67: {  	[tilespmem:v11+s9+$0x0] =	vst.idx.msk $0xffff, v42  }
0x68: {  	v42 =	vld.idx.msk [tilespmem:v12+s2+$0x0], $0xffff  }
0x69: {  	v43 =	vld.idx.msk [tilespmem:v13+s2+$0x0], $0xffff  }
0x6a: {  	v44 =	vld.idx.msk [tilespmem:v14+s2+$0x0], $0xffff  }
0x6b: {  	v45 =	vld.idx.msk [tilespmem:v15+s2+$0x0], $0xffff  }
0x6c: {  	v46 =	vld.idx.msk [tilespmem:v16+s2+$0x0], $0xffff  }
0x6d: {  	v57 =	vld.idx.msk [tilespmem:v17+s2+$0x0], $0xffff  }
0x6e: {  	v58 =	vld.idx.msk [tilespmem:v18+s2+$0x0], $0xffff;
	v59 =	vmax.f32 v42, v43  }
0x6f: {  	v60 =	vld.idx.msk [tilespmem:v19+s2+$0x0], $0xffff;
	v49 =	vmax.f32 v59, v44  }
0x70: {  	v49 =	vmax.f32 v49, v45  }
0x71: {  	v49 =	vmax.f32 v49, v46  }
0x72: {  	v49 =	vmax.f32 v49, v57  }
0x73: {  	v49 =	vmax.f32 v49, v58  }
0x74: {  	v49 =	vmax.f32 v49, v60  }
0x75: {  	vm10 =	veq.f32 v60, v49  }
0x76: {  	vm11 =	veq.f32 v58, v49;
	v61 =	vsel vm10, $0x7, v10  }
0x77: {  	vm12 =	veq.f32 v57, v49;
	v51 =	vsel vm11, $0x6, v61  }
0x78: {  	vm13 =	veq.f32 v46, v49;
	v51 =	vsel vm12, $0x5, v51  }
0x79: {  	vm14 =	veq.f32 v45, v49;
	v51 =	vsel vm13, $0x4, v51  }
0x7a: {  	vm15 =	veq.f32 v44, v49;
	v51 =	vsel vm14, $0x3, v51  }
0x7b: {  	vm4 =	veq.f32 v43, v49;
	v51 =	vsel vm15, $0x2, v51  }
0x7c: {  	vm5 =	vne.f32 v42, v49;
	v51 =	vsel vm4, $0x1, v51  }
0x7d: {  	v51 =	vnsel vm5, $0x0, v51  }
0x7e: {  	vm0 =	vmand vm5, vm4;
	vm6 =	veq.s32 v51, $0x0  }
0x7f: {  	v43 =	vsel vm0, $0xFF800000, v43;
	vm7 =	veq.s32 v51, $0x2;
	v42 =	vsel vm6, $0xFF800000, v42  }
0x80: {  	vm8 =	veq.s32 v51, $0x3;
	v44 =	vsel vm7, $0xFF800000, v44;
	v62 =	vmax.f32 v42, v43  }
0x81: {  	vm9 =	veq.s32 v51, $0x4;
	v45 =	vsel vm8, $0xFF800000, v45;
	v52 =	vmax.f32 v62, v44  }
0x82: {  	vm10 =	veq.s32 v51, $0x5;
	v46 =	vsel vm9, $0xFF800000, v46;
	v52 =	vmax.f32 v52, v45  }
0x83: {  	vm11 =	veq.s32 v51, $0x6;
	v47 =	vsel vm10, $0xFF800000, v57;
	v52 =	vmax.f32 v52, v46  }
0x84: {  	vm12 =	veq.s32 v51, $0x7;
	v48 =	vsel vm11, $0xFF800000, v58;
	v52 =	vmax.f32 v52, v47  }
0x85: {  	v50 =	vsel vm12, $0xFF800000, v60;
	v52 =	vmax.f32 v52, v48  }
0x86: {  	v52 =	vmax.f32 v52, v50  }
0x87: {  	v49 =	vsub.f32 v52, v49;
	_ =	sdelay $0x1  }
0x88: {  	v49 =	vmul.f32 $1.442695020e+00, v49;
	_ =	sdelay $0x1  }
0x89: {  	(erf) = vpow2.f32 v49;
	_ =	sdelay $0x8  }
0x8a: {  	v49 =	vpop (erf)  }
0x8b: {  	vm0 =	veq.f32 v50, v52;
	v63 =	vadd.f32 $1.000000000e+00, v49  }
0x8c: {  	vm13 =	veq.f32 v48, v52;
	v53 =	vsel vm0, $0x7, v10  }
0x8d: {  	vm14 =	veq.f32 v47, v52;
	v48 =	vsel vm13, $0x6, v53;
	(erf) = vrcp.f32 v63  }
0x8e: {  	vm15 =	veq.f32 v46, v52;
	v47 =	vsel vm14, $0x5, v48  }
0x8f: {  	vm4 =	veq.f32 v45, v52;
	v46 =	vsel vm15, $0x4, v47  }
0x90: {  	vm5 =	veq.f32 v44, v52;
	v45 =	vsel vm4, $0x3, v46  }
0x91: {  	vm6 =	veq.f32 v43, v52;
	v44 =	vsel vm5, $0x2, v45  }
0x92: {  	vm7 =	veq.f32 v42, v52;
	v43 =	vsel vm6, $0x1, v44  }
0x93: {  	v54 =	vadd.s32 v12, v51;
	v42 =	vsel vm7, $0x0, v43  }
0x94: {  	v55 =	vadd.s32 v12, v42;
	_ =	sdelay $0x1  }
0x95: {  	v56 =	vpop (erf)  }
0x96: {  	v57 =	vmul.f32 v56, v49  }
0x97: {  	[tilespmem:v54+s8+$0x0] =	vst.idx.msk $0xffff, v56  }
0x98: {  	[tilespmem:v55+s8+$0x0] =	vst.idx.msk $0xffff, v57  }
0x99: {  	[tilespmem:v20+s9+$0x0] =	vst.idx.msk $0xffff, v51  }
0x9a: {  	[tilespmem:v21+s9+$0x0] =	vst.idx.msk $0xffff, v42  }
0x9b: {  	v42 =	vld.idx.msk [tilespmem:v22+s2+$0x0], $0xffff  }
0x9c: {  	v43 =	vld.idx.msk [tilespmem:v23+s2+$0x0], $0xffff  }
0x9d: {  	v44 =	vld.idx.msk [tilespmem:v24+s2+$0x0], $0xffff  }
0x9e: {  	v45 =	vld.idx.msk [tilespmem:v25+s2+$0x0], $0xffff  }
0x9f: {  	v46 =	vld.idx.msk [tilespmem:v26+s2+$0x0], $0xffff  }
0xa0: {  	v58 =	vld.idx.msk [tilespmem:v27+s2+$0x0], $0xffff  }
0xa1: {  	v59 =	vld.idx.msk [tilespmem:v28+s2+$0x0], $0xffff;
	v60 =	vmax.f32 v42, v43  }
0xa2: {  	v61 =	vld.idx.msk [tilespmem:v29+s2+$0x0], $0xffff;
	v49 =	vmax.f32 v60, v44  }
0xa3: {  	v49 =	vmax.f32 v49, v45  }
0xa4: {  	v49 =	vmax.f32 v49, v46  }
0xa5: {  	v49 =	vmax.f32 v49, v58  }
0xa6: {  	v49 =	vmax.f32 v49, v59  }
0xa7: {  	v49 =	vmax.f32 v49, v61  }
0xa8: {  	vm8 =	veq.f32 v61, v49  }
0xa9: {  	vm9 =	veq.f32 v59, v49;
	v62 =	vsel vm8, $0x7, v10  }
0xaa: {  	vm10 =	veq.f32 v58, v49;
	v51 =	vsel vm9, $0x6, v62  }
0xab: {  	vm11 =	veq.f32 v46, v49;
	v51 =	vsel vm10, $0x5, v51  }
0xac: {  	vm12 =	veq.f32 v45, v49;
	v51 =	vsel vm11, $0x4, v51  }
0xad: {  	vm13 =	veq.f32 v44, v49;
	v51 =	vsel vm12, $0x3, v51  }
0xae: {  	vm14 =	veq.f32 v43, v49;
	v51 =	vsel vm13, $0x2, v51  }
0xaf: {  	vm15 =	vne.f32 v42, v49;
	v51 =	vsel vm14, $0x1, v51  }
0xb0: {  	v51 =	vnsel vm15, $0x0, v51  }
0xb1: {  	vm0 =	vmand vm15, vm14;
	vm4 =	veq.s32 v51, $0x0  }
0xb2: {  	v43 =	vsel vm0, $0xFF800000, v43;
	vm5 =	veq.s32 v51, $0x2;
	v42 =	vsel vm4, $0xFF800000, v42  }
0xb3: {  	vm6 =	veq.s32 v51, $0x3;
	v44 =	vsel vm5, $0xFF800000, v44;
	v63 =	vmax.f32 v42, v43  }
0xb4: {  	vm7 =	veq.s32 v51, $0x4;
	v45 =	vsel vm6, $0xFF800000, v45;
	v52 =	vmax.f32 v63, v44  }
0xb5: {  	vm8 =	veq.s32 v51, $0x5;
	v46 =	vsel vm7, $0xFF800000, v46;
	v52 =	vmax.f32 v52, v45  }
0xb6: {  	vm9 =	veq.s32 v51, $0x6;
	v47 =	vsel vm8, $0xFF800000, v58;
	v52 =	vmax.f32 v52, v46  }
0xb7: {  	vm10 =	veq.s32 v51, $0x7;
	v48 =	vsel vm9, $0xFF800000, v59;
	v52 =	vmax.f32 v52, v47  }
0xb8: {  	v50 =	vsel vm10, $0xFF800000, v61;
	v52 =	vmax.f32 v52, v48  }
0xb9: {  	v52 =	vmax.f32 v52, v50  }
0xba: {  	v49 =	vsub.f32 v52, v49;
	_ =	sdelay $0x1  }
0xbb: {  	v49 =	vmul.f32 $1.442695020e+00, v49;
	_ =	sdelay $0x1  }
0xbc: {  	(erf) = vpow2.f32 v49;
	_ =	sdelay $0x8  }
0xbd: {  	v49 =	vpop (erf)  }
0xbe: {  	vm0 =	veq.f32 v50, v52;
	v54 =	vadd.f32 $1.000000000e+00, v49  }
0xbf: {  	vm11 =	veq.f32 v48, v52;
	v55 =	vsel vm0, $0x7, v10  }
0xc0: {  	vm12 =	veq.f32 v47, v52;
	v48 =	vsel vm11, $0x6, v55;
	(erf) = vrcp.f32 v54  }
0xc1: {  	vm13 =	veq.f32 v46, v52;
	v47 =	vsel vm12, $0x5, v48  }
0xc2: {  	vm14 =	veq.f32 v45, v52;
	v46 =	vsel vm13, $0x4, v47  }
0xc3: {  	vm15 =	veq.f32 v44, v52;
	v45 =	vsel vm14, $0x3, v46  }
0xc4: {  	vm4 =	veq.f32 v43, v52;
	v44 =	vsel vm15, $0x2, v45  }
0xc5: {  	vm5 =	veq.f32 v42, v52;
	v43 =	vsel vm4, $0x1, v44  }
0xc6: {  	v56 =	vadd.s32 v22, v51;
	v42 =	vsel vm5, $0x0, v43  }
0xc7: {  	v57 =	vadd.s32 v22, v42;
	_ =	sdelay $0x1  }
0xc8: {  	v58 =	vpop (erf)  }
0xc9: {  	v59 =	vmul.f32 v58, v49  }
0xca: {  	[tilespmem:v56+s8+$0x0] =	vst.idx.msk $0xffff, v58  }
0xcb: {  	[tilespmem:v57+s8+$0x0] =	vst.idx.msk $0xffff, v59  }
0xcc: {  	[tilespmem:v30+s9+$0x0] =	vst.idx.msk $0xffff, v51  }
0xcd: {  	[tilespmem:v31+s9+$0x0] =	vst.idx.msk $0xffff, v42  }
0xce: {  	v42 =	vld.idx.msk [tilespmem:v32+s2+$0x0], $0xffff  }
0xcf: {  	v43 =	vld.idx.msk [tilespmem:v33+s2+$0x0], $0xffff  }
0xd0: {  	v44 =	vld.idx.msk [tilespmem:v34+s2+$0x0], $0xffff  }
0xd1: {  	v45 =	vld.idx.msk [tilespmem:v35+s2+$0x0], $0xffff  }
0xd2: {  	v46 =	vld.idx.msk [tilespmem:v36+s2+$0x0], $0xffff  }
0xd3: {  	v60 =	vld.idx.msk [tilespmem:v37+s2+$0x0], $0xffff  }
0xd4: {  	v61 =	vld.idx.msk [tilespmem:v38+s2+$0x0], $0xffff;
	v62 =	vmax.f32 v42, v43  }
0xd5: {  	v63 =	vld.idx.msk [tilespmem:v39+s2+$0x0], $0xffff;
	v49 =	vmax.f32 v62, v44  }
0xd6: {  	v49 =	vmax.f32 v49, v45  }
0xd7: {  	v49 =	vmax.f32 v49, v46  }
0xd8: {  	v49 =	vmax.f32 v49, v60  }
0xd9: {  	v49 =	vmax.f32 v49, v61  }
0xda: {  	v49 =	vmax.f32 v49, v63  }
0xdb: {  	vm6 =	veq.f32 v63, v49  }
0xdc: {  	vm7 =	veq.f32 v61, v49;
	v56 =	vsel vm6, $0x7, v10  }
0xdd: {  	vm8 =	veq.f32 v60, v49;
	v51 =	vsel vm7, $0x6, v56  }
0xde: {  	vm9 =	veq.f32 v46, v49;
	v51 =	vsel vm8, $0x5, v51  }
0xdf: {  	vm10 =	veq.f32 v45, v49;
	v51 =	vsel vm9, $0x4, v51  }
0xe0: {  	vm11 =	veq.f32 v44, v49;
	v51 =	vsel vm10, $0x3, v51  }
0xe1: {  	vm12 =	veq.f32 v43, v49;
	v51 =	vsel vm11, $0x2, v51  }
0xe2: {  	vm13 =	vne.f32 v42, v49;
	v51 =	vsel vm12, $0x1, v51  }
0xe3: {  	v51 =	vnsel vm13, $0x0, v51  }
0xe4: {  	vm0 =	vmand vm13, vm12;
	vm14 =	veq.s32 v51, $0x0  }
0xe5: {  	v43 =	vsel vm0, $0xFF800000, v43;
	vm15 =	veq.s32 v51, $0x2;
	v42 =	vsel vm14, $0xFF800000, v42  }
0xe6: {  	vm4 =	veq.s32 v51, $0x3;
	v44 =	vsel vm15, $0xFF800000, v44;
	v57 =	vmax.f32 v42, v43  }
0xe7: {  	vm5 =	veq.s32 v51, $0x4;
	v45 =	vsel vm4, $0xFF800000, v45;
	v52 =	vmax.f32 v57, v44  }
0xe8: {  	vm6 =	veq.s32 v51, $0x5;
	v46 =	vsel vm5, $0xFF800000, v46;
	v52 =	vmax.f32 v52, v45  }
0xe9: {  	vm7 =	veq.s32 v51, $0x6;
	v47 =	vsel vm6, $0xFF800000, v60;
	v52 =	vmax.f32 v52, v46  }
0xea: {  	vm8 =	veq.s32 v51, $0x7;
	v48 =	vsel vm7, $0xFF800000, v61;
	v52 =	vmax.f32 v52, v47  }
0xeb: {  	v50 =	vsel vm8, $0xFF800000, v63;
	v52 =	vmax.f32 v52, v48  }
0xec: {  	v52 =	vmax.f32 v52, v50  }
0xed: {  	v49 =	vsub.f32 v52, v49;
	_ =	sdelay $0x1  }
0xee: {  	v49 =	vmul.f32 $1.442695020e+00, v49;
	_ =	sdelay $0x1  }
0xef: {  	(erf) = vpow2.f32 v49;
	_ =	sdelay $0x8  }
0xf0: {  	v49 =	vpop (erf)  }
0xf1: {  	vm0 =	veq.f32 v50, v52;
	v58 =	vadd.f32 $1.000000000e+00, v49  }
0xf2: {  	vm9 =	veq.f32 v48, v52;
	v59 =	vsel vm0, $0x7, v10  }
0xf3: {  	vm10 =	veq.f32 v47, v52;
	v48 =	vsel vm9, $0x6, v59;
	(erf) = vrcp.f32 v58  }
0xf4: {  	vm11 =	veq.f32 v46, v52;
	v47 =	vsel vm10, $0x5, v48  }
0xf5: {  	vm12 =	veq.f32 v45, v52;
	v46 =	vsel vm11, $0x4, v47  }
0xf6: {  	vm13 =	veq.f32 v44, v52;
	v45 =	vsel vm12, $0x3, v46  }
0xf7: {  	vm14 =	veq.f32 v43, v52;
	v44 =	vsel vm13, $0x2, v45  }
0xf8: {  	vm15 =	veq.f32 v42, v52;
	v43 =	vsel vm14, $0x1, v44  }
0xf9: {  	v60 =	vadd.s32 v32, v51;
	v42 =	vsel vm15, $0x0, v43  }
0xfa: {  	v61 =	vadd.s32 v32, v42;
	_ =	sdelay $0x1  }
0xfb: {  	v62 =	vpop (erf)  }
0xfc: {  	v63 =	vmul.f32 v62, v49  }
0xfd: {  	[tilespmem:v60+s8+$0x0] =	vst.idx.msk $0xffff, v62  }
0xfe: {  	[tilespmem:v61+s8+$0x0] =	vst.idx.msk $0xffff, v63  }
0xff: {  	[tilespmem:v40+s9+$0x0] =	vst.idx.msk $0xffff, v51  }
0x100: {  	[tilespmem:v41+s9+$0x0] =	vst.idx.msk $0xffff, v42  }
0x101: {  	[hbm4b:s4+s2] =	stream.linear.scatter [tilespmem:s8], [sflag:$0x1], $0x200, $0x38;
	[tilespmem:$0x480] =	vst v63  }
0x102: {  	_ =	swait.ge [sflag:s7], $0x200  }
0x103: {  	p0 =	sne.s32 s6, $0x1;
	[sflag:s7] =	ssyncset.done $0x0  }
.Ltmp0:
0x104: {  	[sflag:s7] =	ssyncadd.s32 $0xFFFFFE00;
	(pc) =	sbr.rel @p0 .LBB2_1-.Ltmp0, $4  }
0x105: {  	[hbm4b:s5+s2] =	stream.linear.scatter [tilespmem:s9], [sflag:$0x1], $0x80, $0x38;
	[tilespmem:$0x480] =	vst v63  }
0x106: {  	_ =	swait.ge [sflag:s7], $0x80  }
0x107: {  	[sflag:s7] =	ssyncset.done $0x0  }
0x108: {  	s6 =	sadd.s32 $0xFFFFFFFF, s6;
	[sflag:s7] =	ssyncadd.s32 $0xFFFFFF80  }
0x109: {  	_ =	sfence.sel $0x180000  }
0x10a: {  	[bflag:$0x0] =	sbarrier.arrive $0xFFFF  }
0x10b: {  	p0 =	sne.s32 s0, $0x0;
	_ =	strace $0x90000047  }
0x10c: {  	s0 =	sadd.s32 @!p0 $0x100000, s1;
	[bflag:$0x2] =	sbarrier.arrive $0xFFFF  }
0x10d: {  	[sflag:s0] =	ssyncadd.tile.s32 @!p0 $0x1;
	_ =	shalt  }
.Lfunc_end2:
_tile_overlayer_lowered:
.L_overlay_start_2:
0x10e: {  	(tag) =	ssettag $0x2  }
0x10f: {  	s0 =	rddreg [dreg:$0x0];
	s2 =	stileid.u32  }
0x110: {  	s1 =	rddreg [dreg:$0x1];
	p0 =	sne.s32 s2, $0x0  }
0x111: {  	s3 =	rddreg [dreg:$0x2];
	[bflag:$0x3] =	sbarrier.arrive $0xFFFF;
	s2 =	simm.s32 @!p0 $0x1C01  }
0x112: {  	[timem:s3], [sflag:s2] =	dma.local @!p0 [hbm:s0], s1  }
0x113: {  	s0 =	simm.s32 @!p0 $0x1  }
0x114: {  	_ =	swait.ge @!p0 [sflag:s0], s1  }
0x115: {  	s1 =	ssub.s32 @!p0 $0x0, s1;
	[sflag:s0] =	ssyncset.done @!p0 $0x0  }
0x116: {  	[sflag:s0] =	ssyncadd.s32 @!p0 s1  }
0x117: {  	[bflag:$0x3] =	sbarrier.arrive $0xFFFF  }
0x118: {  	_ =	shalt  }

</sc_bundles>
